<compile_context>
chip_gen: v7x
topology: tpu7x:2x2x1
jax: 0.10.2.dev20260603
libtpu: 0.0.44.dev20260713+nightly
codegen_flags: <defaults>
</compile_context>

<pallas_src>
import functools

import jax
import jax.numpy as jnp
from jax import lax
from jax.experimental import pallas as pl
from jax.experimental.pallas import tpu as pltpu
from jax.experimental.pallas import tpu_sc as plsc

_NC = 2
_NS = 16
_NW = _NC * _NS
_C = 8
_NBUF = 8
_LOOK = 5


def _make_lookup(B, V, D):
    b_per_w = B // _NW
    n_chunks = b_per_w // _C
    assert n_chunks % _NBUF == 0
    mesh = plsc.VectorSubcoreMesh(core_axis_name="c", subcore_axis_name="s")

    @functools.partial(
        pl.kernel,
        out_type=jax.ShapeDtypeStruct((B, D), jnp.float32),
        mesh=mesh,
        scratch_types=[
            pltpu.VMEM((b_per_w,), jnp.int32),
            [pltpu.VMEM((_C, D), jnp.float32) for _ in range(_NBUF)],
            [pltpu.SemaphoreType.DMA for _ in range(_NBUF)],
            [pltpu.SemaphoreType.DMA for _ in range(_NBUF)],
        ],
    )
    def k(table_hbm, idx_hbm, out_hbm, idx_v, bufs, gsems, wsems):
        wid = lax.axis_index("s") * _NC + lax.axis_index("c")
        base = wid * b_per_w
        pltpu.sync_copy(idx_hbm.at[pl.ds(base, b_per_w)], idx_v)

        def start_gather(c, b):
            pltpu.async_copy(
                table_hbm.at[idx_v.at[pl.ds(c * _C, _C)]], bufs[b], gsems[b]
            )

        def wait_gather(b):
            pltpu.make_async_copy(
                table_hbm.at[pl.ds(0, _C)], bufs[b], gsems[b]
            ).wait()

        def start_write(c, b):
            pltpu.async_copy(
                bufs[b], out_hbm.at[pl.ds(base + c * _C, _C)], wsems[b]
            )

        def wait_write(b):
            pltpu.make_async_copy(
                bufs[b], out_hbm.at[pl.ds(base, _C)], wsems[b]
            ).wait()

        for p in range(_LOOK):
            start_gather(p, p)

        def body(g4, carry):
            for b in range(_NBUF):
                c = g4 * _NBUF + b
                bn = (b + _LOOK) % _NBUF

                @pl.when(c >= _NBUF - _LOOK)
                def _():
                    wait_write(bn)

                @pl.when(c + _LOOK < n_chunks)
                def _():
                    start_gather(c + _LOOK, bn)

                wait_gather(b)
                start_write(c, b)
            return carry

        lax.fori_loop(0, n_chunks // _NBUF, body, 0)
        for p in range(_NBUF - _LOOK, 0, -1):
            wait_write((n_chunks - p) % _NBUF)

    return k


def kernel(position_ids, table):
    batch, seq = position_ids.shape
    V, D = table.shape
    flat_ids = position_ids.reshape(-1).astype(jnp.int32)
    out = _make_lookup(flat_ids.shape[0], V, D)(table, flat_ids)
    return out.reshape(batch, seq, D)

# --- scband reference (transcript-rebuilt; emitter-appended) ---
"""Pipeline reference for scband-position-embeddings-44762149159256 (READ-ONLY COPY).

The authoritative reference and input builder live on the scoring server;
editing this copy changes nothing except your own understanding.
"""

import jax, jax.numpy as jnp
import numpy as np

MAX_POS = 8192
HIDDEN = 1024
BATCH = 4
SEQ = 8192

def setup_inputs(seed: int = 0) -> dict:
    key = jax.random.key(seed)
    k1, k2 = jax.random.split(key)
    position_ids = jax.random.randint(k1, (BATCH, SEQ), 0, MAX_POS, dtype=jnp.int64 if jax.config.jax_enable_x64 else jnp.int32)
    table = jax.random.normal(k2, (MAX_POS, HIDDEN), dtype=jnp.float32) * 0.02
    return {"position_ids": position_ids, "table": table}

def reference(position_ids, table):
    # Embedding lookup: gather rows of the position embedding table.
    # Dropout is identity in inference mode (p applied only when training).
    position_embeddings = jnp.take(table, position_ids, axis=0)
    return position_embeddings

if __name__ == "__main__":
    import jax
    _d = setup_inputs()
    print(jax.jit(kernel)(*tuple(_d.values())))

</pallas_src>

<mosaic_0001>
#map = affine_map<(d0, d1) -> (0, 0)>
#map1 = affine_map<(d0, d1) -> (0)>
module attributes {stable_mosaic.version = 14 : i64} {
  func.func @k(%arg0: i32, %arg1: i32, %arg2: memref<8192x1024xf32, #tpu.memory_space<hbm>>, %arg3: memref<32768xi32, #tpu.memory_space<hbm>>, %arg4: memref<32768x1024xf32, #tpu.memory_space<hbm>>, %arg5: memref<1024xi32, #tpu.memory_space<vmem>>, %arg6: memref<8x1024xf32, #tpu.memory_space<vmem>>, %arg7: memref<8x1024xf32, #tpu.memory_space<vmem>>, %arg8: memref<8x1024xf32, #tpu.memory_space<vmem>>, %arg9: memref<8x1024xf32, #tpu.memory_space<vmem>>, %arg10: memref<8x1024xf32, #tpu.memory_space<vmem>>, %arg11: memref<8x1024xf32, #tpu.memory_space<vmem>>, %arg12: memref<8x1024xf32, #tpu.memory_space<vmem>>, %arg13: memref<8x1024xf32, #tpu.memory_space<vmem>>, %arg14: memref<!tpu.dma_semaphore, #tpu.memory_space<semaphore_mem>>, %arg15: memref<!tpu.dma_semaphore, #tpu.memory_space<semaphore_mem>>, %arg16: memref<!tpu.dma_semaphore, #tpu.memory_space<semaphore_mem>>, %arg17: memref<!tpu.dma_semaphore, #tpu.memory_space<semaphore_mem>>, %arg18: memref<!tpu.dma_semaphore, #tpu.memory_space<semaphore_mem>>, %arg19: memref<!tpu.dma_semaphore, #tpu.memory_space<semaphore_mem>>, %arg20: memref<!tpu.dma_semaphore, #tpu.memory_space<semaphore_mem>>, %arg21: memref<!tpu.dma_semaphore, #tpu.memory_space<semaphore_mem>>, %arg22: memref<!tpu.dma_semaphore, #tpu.memory_space<semaphore_mem>>, %arg23: memref<!tpu.dma_semaphore, #tpu.memory_space<semaphore_mem>>, %arg24: memref<!tpu.dma_semaphore, #tpu.memory_space<semaphore_mem>>, %arg25: memref<!tpu.dma_semaphore, #tpu.memory_space<semaphore_mem>>, %arg26: memref<!tpu.dma_semaphore, #tpu.memory_space<semaphore_mem>>, %arg27: memref<!tpu.dma_semaphore, #tpu.memory_space<semaphore_mem>>, %arg28: memref<!tpu.dma_semaphore, #tpu.memory_space<semaphore_mem>>, %arg29: memref<!tpu.dma_semaphore, #tpu.memory_space<semaphore_mem>>) attributes {dimension_semantics = [#tpu.dimension_semantics<core_parallel>, #tpu.dimension_semantics<subcore_parallel>], iteration_bounds = array<i64: 2, 16>, scalar_prefetch = 0 : i64, scratch_operands = 25 : i64, tpu.core_type = #tpu.core_type<sc_vector_subcore>, window_params = [{transform_indices = #map}, {transform_indices = #map1}, {transform_indices = #map}]} {
    %mul3A = arith.constant 2 : i32
    %mul3A_0 = arith.muli %arg1, %mul3A : i32
    %add3A = arith.addi %mul3A_0, %arg0 : i32
    %mul3A_1 = arith.constant 1024 : i32
    %mul3A_2 = arith.muli %add3A, %mul3A_1 : i32
    "tpu.region"() ({
      %run_scoped3A = tpu.sem_alloc : memref<!tpu.dma_semaphore, #tpu.memory_space<semaphore_mem>>
      %dma_start3A_43 = tpu.memref_slice %arg3[%mul3A_2] : memref<32768xi32, #tpu.memory_space<hbm>> -> memref<1024xi32, #tpu.memory_space<hbm>>
      %dma_start3A_44 = tpu.memref_slice %arg3[%mul3A_2] : memref<32768xi32, #tpu.memory_space<hbm>> -> memref<1024xi32, #tpu.memory_space<hbm>>
      tpu.enqueue_dma source(%dma_start3A_44 : memref<1024xi32, #tpu.memory_space<hbm>>) target(%arg5 : memref<1024xi32, #tpu.memory_space<vmem>>) target_semaphore(%run_scoped3A : memref<!tpu.dma_semaphore, #tpu.memory_space<semaphore_mem>>)
      %dma_wait3A_45 = tpu.memref_slice %arg3[%mul3A_2] : memref<32768xi32, #tpu.memory_space<hbm>> -> memref<1024xi32, #tpu.memory_space<hbm>>
      %dma_wait3A_46 = tpu.memref_slice %arg3[%mul3A_2] : memref<32768xi32, #tpu.memory_space<hbm>> -> memref<1024xi32, #tpu.memory_space<hbm>>
      tpu.wait_dma2 semaphore(%run_scoped3A : memref<!tpu.dma_semaphore, #tpu.memory_space<semaphore_mem>>) src(%dma_wait3A_46 : memref<1024xi32, #tpu.memory_space<hbm>>) dst(%arg5 : memref<1024xi32, #tpu.memory_space<vmem>>)
      tpu.yield
    }) : () -> ()
    %dma_start3A = arith.constant 0 : i32
    %dma_start3A_3 = tpu.memref_slice %arg5[%dma_start3A] : memref<1024xi32, #tpu.memory_space<vmem>> -> memref<8xi32, #tpu.memory_space<vmem>>
    %dma_start3A_4 = arith.constant 0 : i32
    %dma_start3A_5 = arith.constant 0 : i32
    %dma_start3A_6 = tpu.memref_slice %arg2[%dma_start3A_4, %dma_start3A_5] : memref<8192x1024xf32, #tpu.memory_space<hbm>> -> memref<8192x1024xf32, #tpu.memory_space<hbm>>
    tpu.enqueue_indirect_dma source(%dma_start3A_6 : memref<8192x1024xf32, #tpu.memory_space<hbm>>) target(%arg6 : memref<8x1024xf32, #tpu.memory_space<vmem>>) offsets(%dma_start3A_3 : memref<8xi32, #tpu.memory_space<vmem>>) semaphore(%arg14 : memref<!tpu.dma_semaphore, #tpu.memory_space<semaphore_mem>>)
    %dma_start3A_7 = arith.constant 8 : i32
    %dma_start3A_8 = tpu.memref_slice %arg5[%dma_start3A_7] : memref<1024xi32, #tpu.memory_space<vmem>> -> memref<8xi32, #tpu.memory_space<vmem>>
    %dma_start3A_9 = arith.constant 0 : i32
    %dma_start3A_10 = arith.constant 0 : i32
    %dma_start3A_11 = tpu.memref_slice %arg2[%dma_start3A_9, %dma_start3A_10] : memref<8192x1024xf32, #tpu.memory_space<hbm>> -> memref<8192x1024xf32, #tpu.memory_space<hbm>>
    tpu.enqueue_indirect_dma source(%dma_start3A_11 : memref<8192x1024xf32, #tpu.memory_space<hbm>>) target(%arg7 : memref<8x1024xf32, #tpu.memory_space<vmem>>) offsets(%dma_start3A_8 : memref<8xi32, #tpu.memory_space<vmem>>) semaphore(%arg15 : memref<!tpu.dma_semaphore, #tpu.memory_space<semaphore_mem>>)
    %dma_start3A_12 = arith.constant 16 : i32
    %dma_start3A_13 = tpu.memref_slice %arg5[%dma_start3A_12] : memref<1024xi32, #tpu.memory_space<vmem>> -> memref<8xi32, #tpu.memory_space<vmem>>
    %dma_start3A_14 = arith.constant 0 : i32
    %dma_start3A_15 = arith.constant 0 : i32
    %dma_start3A_16 = tpu.memref_slice %arg2[%dma_start3A_14, %dma_start3A_15] : memref<8192x1024xf32, #tpu.memory_space<hbm>> -> memref<8192x1024xf32, #tpu.memory_space<hbm>>
    tpu.enqueue_indirect_dma source(%dma_start3A_16 : memref<8192x1024xf32, #tpu.memory_space<hbm>>) target(%arg8 : memref<8x1024xf32, #tpu.memory_space<vmem>>) offsets(%dma_start3A_13 : memref<8xi32, #tpu.memory_space<vmem>>) semaphore(%arg16 : memref<!tpu.dma_semaphore, #tpu.memory_space<semaphore_mem>>)
    %dma_start3A_17 = arith.constant 24 : i32
    %dma_start3A_18 = tpu.memref_slice %arg5[%dma_start3A_17] : memref<1024xi32, #tpu.memory_space<vmem>> -> memref<8xi32, #tpu.memory_space<vmem>>
    %dma_start3A_19 = arith.constant 0 : i32
    %dma_start3A_20 = arith.constant 0 : i32
    %dma_start3A_21 = tpu.memref_slice %arg2[%dma_start3A_19, %dma_start3A_20] : memref<8192x1024xf32, #tpu.memory_space<hbm>> -> memref<8192x1024xf32, #tpu.memory_space<hbm>>
    tpu.enqueue_indirect_dma source(%dma_start3A_21 : memref<8192x1024xf32, #tpu.memory_space<hbm>>) target(%arg9 : memref<8x1024xf32, #tpu.memory_space<vmem>>) offsets(%dma_start3A_18 : memref<8xi32, #tpu.memory_space<vmem>>) semaphore(%arg17 : memref<!tpu.dma_semaphore, #tpu.memory_space<semaphore_mem>>)
    %dma_start3A_22 = arith.constant 32 : i32
    %dma_start3A_23 = tpu.memref_slice %arg5[%dma_start3A_22] : memref<1024xi32, #tpu.memory_space<vmem>> -> memref<8xi32, #tpu.memory_space<vmem>>
    %dma_start3A_24 = arith.constant 0 : i32
    %dma_start3A_25 = arith.constant 0 : i32
    %dma_start3A_26 = tpu.memref_slice %arg2[%dma_start3A_24, %dma_start3A_25] : memref<8192x1024xf32, #tpu.memory_space<hbm>> -> memref<8192x1024xf32, #tpu.memory_space<hbm>>
    tpu.enqueue_indirect_dma source(%dma_start3A_26 : memref<8192x1024xf32, #tpu.memory_space<hbm>>) target(%arg10 : memref<8x1024xf32, #tpu.memory_space<vmem>>) offsets(%dma_start3A_23 : memref<8xi32, #tpu.memory_space<vmem>>) semaphore(%arg18 : memref<!tpu.dma_semaphore, #tpu.memory_space<semaphore_mem>>)
    %scan3A = arith.constant 0 : i32
    %scan3A_27 = arith.constant 0 : i32
    %scan3A_28 = arith.constant 16 : i32
    %scan3A_29 = arith.addi %scan3A_27, %scan3A_28 : i32
    %scan3A_30 = arith.constant 1 : i32
    scf.for %scan3A_43 = %scan3A_27 to %scan3A_29 step %scan3A_30  : i32 {
      %mul3A_44 = arith.constant 8 : i32
      %mul3A_45 = arith.muli %scan3A_43, %mul3A_44 : i32
      %add3A_46 = arith.constant 0 : i32
      %add3A_47 = arith.addi %mul3A_45, %add3A_46 : i32
      %ge3A = arith.constant 3 : i32
      %ge3A_48 = arith.cmpi sge, %add3A_47, %ge3A : i32
      %convert_element_type3A = arith.extui %ge3A_48 : i1 to i32
      %cond3A = arith.constant 0 : i32
      %cond3A_49 = arith.cmpi ne, %convert_element_type3A, %cond3A : i32
      scf.if %cond3A_49 {
        %dma_wait3A_272 = arith.constant 0 : i32
        %dma_wait3A_273 = tpu.memref_slice %arg4[%mul3A_2, %dma_wait3A_272] : memref<32768x1024xf32, #tpu.memory_space<hbm>> -> memref<8x1024xf32, #tpu.memory_space<hbm>>
        %dma_wait3A_274 = arith.constant 0 : i32
        %dma_wait3A_275 = tpu.memref_slice %arg4[%mul3A_2, %dma_wait3A_274] : memref<32768x1024xf32, #tpu.memory_space<hbm>> -> memref<8x1024xf32, #tpu.memory_space<hbm>>
        tpu.wait_dma2 semaphore(%arg27 : memref<!tpu.dma_semaphore, #tpu.memory_space<semaphore_mem>>) src(%arg11 : memref<8x1024xf32, #tpu.memory_space<vmem>>) dst(%dma_wait3A_275 : memref<8x1024xf32, #tpu.memory_space<hbm>>)
      } else {
      }
      %add3A_50 = arith.constant 5 : i32
      %add3A_51 = arith.addi %add3A_47, %add3A_50 : i32
      %lt3A = arith.constant 128 : i32
      %lt3A_52 = arith.cmpi slt, %add3A_51, %lt3A : i32
      %convert_element_type3A_53 = arith.extui %lt3A_52 : i1 to i32
      %cond3A_54 = arith.constant 0 : i32
      %cond3A_55 = arith.cmpi ne, %convert_element_type3A_53, %cond3A_54 : i32
      scf.if %cond3A_55 {
        %add3A_272 = arith.constant 5 : i32
        %add3A_273 = arith.addi %add3A_47, %add3A_272 : i32
        %mul3A_274 = arith.constant 8 : i32
        %mul3A_275 = arith.muli %add3A_273, %mul3A_274 : i32
        %dma_start3A_276 = tpu.memref_slice %arg5[%mul3A_275] : memref<1024xi32, #tpu.memory_space<vmem>> -> memref<8xi32, #tpu.memory_space<vmem>>
        %dma_start3A_277 = arith.constant 0 : i32
        %dma_start3A_278 = arith.constant 0 : i32
        %dma_start3A_279 = tpu.memref_slice %arg2[%dma_start3A_277, %dma_start3A_278] : memref<8192x1024xf32, #tpu.memory_space<hbm>> -> memref<8192x1024xf32, #tpu.memory_space<hbm>>
        tpu.enqueue_indirect_dma source(%dma_start3A_279 : memref<8192x1024xf32, #tpu.memory_space<hbm>>) target(%arg11 : memref<8x1024xf32, #tpu.memory_space<vmem>>) offsets(%dma_start3A_276 : memref<8xi32, #tpu.memory_space<vmem>>) semaphore(%arg19 : memref<!tpu.dma_semaphore, #tpu.memory_space<semaphore_mem>>)
      } else {
      }
      %dma_wait3A_56 = arith.constant 0 : i32
      %dma_wait3A_57 = arith.constant 0 : i32
      %dma_wait3A_58 = tpu.memref_slice %arg2[%dma_wait3A_56, %dma_wait3A_57] : memref<8192x1024xf32, #tpu.memory_space<hbm>> -> memref<8x1024xf32, #tpu.memory_space<hbm>>
      %dma_wait3A_59 = arith.constant 0 : i32
      %dma_wait3A_60 = arith.constant 0 : i32
      %dma_wait3A_61 = tpu.memref_slice %arg2[%dma_wait3A_59, %dma_wait3A_60] : memref<8192x1024xf32, #tpu.memory_space<hbm>> -> memref<8x1024xf32, #tpu.memory_space<hbm>>
      tpu.wait_dma2 semaphore(%arg14 : memref<!tpu.dma_semaphore, #tpu.memory_space<semaphore_mem>>) src(%dma_wait3A_61 : memref<8x1024xf32, #tpu.memory_space<hbm>>) dst(%arg6 : memref<8x1024xf32, #tpu.memory_space<vmem>>)
      %mul3A_62 = arith.constant 8 : i32
      %mul3A_63 = arith.muli %add3A_47, %mul3A_62 : i32
      %add3A_64 = arith.addi %mul3A_2, %mul3A_63 : i32
      %dma_start3A_65 = arith.constant 0 : i32
      %dma_start3A_66 = tpu.memref_slice %arg4[%add3A_64, %dma_start3A_65] : memref<32768x1024xf32, #tpu.memory_space<hbm>> -> memref<8x1024xf32, #tpu.memory_space<hbm>>
      %dma_start3A_67 = arith.constant 0 : i32
      %dma_start3A_68 = tpu.memref_slice %arg4[%add3A_64, %dma_start3A_67] : memref<32768x1024xf32, #tpu.memory_space<hbm>> -> memref<8x1024xf32, #tpu.memory_space<hbm>>
      tpu.enqueue_dma source(%arg6 : memref<8x1024xf32, #tpu.memory_space<vmem>>) target(%dma_start3A_68 : memref<8x1024xf32, #tpu.memory_space<hbm>>) target_semaphore(%arg22 : memref<!tpu.dma_semaphore, #tpu.memory_space<semaphore_mem>>)
      %mul3A_69 = arith.constant 8 : i32
      %mul3A_70 = arith.muli %scan3A_43, %mul3A_69 : i32
      %add3A_71 = arith.constant 1 : i32
      %add3A_72 = arith.addi %mul3A_70, %add3A_71 : i32
      %ge3A_73 = arith.constant 3 : i32
      %ge3A_74 = arith.cmpi sge, %add3A_72, %ge3A_73 : i32
      %convert_element_type3A_75 = arith.extui %ge3A_74 : i1 to i32
      %cond3A_76 = arith.constant 0 : i32
      %cond3A_77 = arith.cmpi ne, %convert_element_type3A_75, %cond3A_76 : i32
      scf.if %cond3A_77 {
        %dma_wait3A_272 = arith.constant 0 : i32
        %dma_wait3A_273 = tpu.memref_slice %arg4[%mul3A_2, %dma_wait3A_272] : memref<32768x1024xf32, #tpu.memory_space<hbm>> -> memref<8x1024xf32, #tpu.memory_space<hbm>>
        %dma_wait3A_274 = arith.constant 0 : i32
        %dma_wait3A_275 = tpu.memref_slice %arg4[%mul3A_2, %dma_wait3A_274] : memref<32768x1024xf32, #tpu.memory_space<hbm>> -> memref<8x1024xf32, #tpu.memory_space<hbm>>
        tpu.wait_dma2 semaphore(%arg28 : memref<!tpu.dma_semaphore, #tpu.memory_space<semaphore_mem>>) src(%arg12 : memref<8x1024xf32, #tpu.memory_space<vmem>>) dst(%dma_wait3A_275 : memref<8x1024xf32, #tpu.memory_space<hbm>>)
      } else {
      }
      %add3A_78 = arith.constant 5 : i32
      %add3A_79 = arith.addi %add3A_72, %add3A_78 : i32
      %lt3A_80 = arith.constant 128 : i32
      %lt3A_81 = arith.cmpi slt, %add3A_79, %lt3A_80 : i32
      %convert_element_type3A_82 = arith.extui %lt3A_81 : i1 to i32
      %cond3A_83 = arith.constant 0 : i32
      %cond3A_84 = arith.cmpi ne, %convert_element_type3A_82, %cond3A_83 : i32
      scf.if %cond3A_84 {
        %add3A_272 = arith.constant 5 : i32
        %add3A_273 = arith.addi %add3A_72, %add3A_272 : i32
        %mul3A_274 = arith.constant 8 : i32
        %mul3A_275 = arith.muli %add3A_273, %mul3A_274 : i32
        %dma_start3A_276 = tpu.memref_slice %arg5[%mul3A_275] : memref<1024xi32, #tpu.memory_space<vmem>> -> memref<8xi32, #tpu.memory_space<vmem>>
        %dma_start3A_277 = arith.constant 0 : i32
        %dma_start3A_278 = arith.constant 0 : i32
        %dma_start3A_279 = tpu.memref_slice %arg2[%dma_start3A_277, %dma_start3A_278] : memref<8192x1024xf32, #tpu.memory_space<hbm>> -> memref<8192x1024xf32, #tpu.memory_space<hbm>>
        tpu.enqueue_indirect_dma source(%dma_start3A_279 : memref<8192x1024xf32, #tpu.memory_space<hbm>>) target(%arg12 : memref<8x1024xf32, #tpu.memory_space<vmem>>) offsets(%dma_start3A_276 : memref<8xi32, #tpu.memory_space<vmem>>) semaphore(%arg20 : memref<!tpu.dma_semaphore, #tpu.memory_space<semaphore_mem>>)
      } else {
      }
      %dma_wait3A_85 = arith.constant 0 : i32
      %dma_wait3A_86 = arith.constant 0 : i32
      %dma_wait3A_87 = tpu.memref_slice %arg2[%dma_wait3A_85, %dma_wait3A_86] : memref<8192x1024xf32, #tpu.memory_space<hbm>> -> memref<8x1024xf32, #tpu.memory_space<hbm>>
      %dma_wait3A_88 = arith.constant 0 : i32
      %dma_wait3A_89 = arith.constant 0 : i32
      %dma_wait3A_90 = tpu.memref_slice %arg2[%dma_wait3A_88, %dma_wait3A_89] : memref<8192x1024xf32, #tpu.memory_space<hbm>> -> memref<8x1024xf32, #tpu.memory_space<hbm>>
      tpu.wait_dma2 semaphore(%arg15 : memref<!tpu.dma_semaphore, #tpu.memory_space<semaphore_mem>>) src(%dma_wait3A_90 : memref<8x1024xf32, #tpu.memory_space<hbm>>) dst(%arg7 : memref<8x1024xf32, #tpu.memory_space<vmem>>)
      %mul3A_91 = arith.constant 8 : i32
      %mul3A_92 = arith.muli %add3A_72, %mul3A_91 : i32
      %add3A_93 = arith.addi %mul3A_2, %mul3A_92 : i32
      %dma_start3A_94 = arith.constant 0 : i32
      %dma_start3A_95 = tpu.memref_slice %arg4[%add3A_93, %dma_start3A_94] : memref<32768x1024xf32, #tpu.memory_space<hbm>> -> memref<8x1024xf32, #tpu.memory_space<hbm>>
      %dma_start3A_96 = arith.constant 0 : i32
      %dma_start3A_97 = tpu.memref_slice %arg4[%add3A_93, %dma_start3A_96] : memref<32768x1024xf32, #tpu.memory_space<hbm>> -> memref<8x1024xf32, #tpu.memory_space<hbm>>
      tpu.enqueue_dma source(%arg7 : memref<8x1024xf32, #tpu.memory_space<vmem>>) target(%dma_start3A_97 : memref<8x1024xf32, #tpu.memory_space<hbm>>) target_semaphore(%arg23 : memref<!tpu.dma_semaphore, #tpu.memory_space<semaphore_mem>>)
      %mul3A_98 = arith.constant 8 : i32
      %mul3A_99 = arith.muli %scan3A_43, %mul3A_98 : i32
      %add3A_100 = arith.constant 2 : i32
      %add3A_101 = arith.addi %mul3A_99, %add3A_100 : i32
      %ge3A_102 = arith.constant 3 : i32
      %ge3A_103 = arith.cmpi sge, %add3A_101, %ge3A_102 : i32
      %convert_element_type3A_104 = arith.extui %ge3A_103 : i1 to i32
      %cond3A_105 = arith.constant 0 : i32
      %cond3A_106 = arith.cmpi ne, %convert_element_type3A_104, %cond3A_105 : i32
      scf.if %cond3A_106 {
        %dma_wait3A_272 = arith.constant 0 : i32
        %dma_wait3A_273 = tpu.memref_slice %arg4[%mul3A_2, %dma_wait3A_272] : memref<32768x1024xf32, #tpu.memory_space<hbm>> -> memref<8x1024xf32, #tpu.memory_space<hbm>>
        %dma_wait3A_274 = arith.constant 0 : i32
        %dma_wait3A_275 = tpu.memref_slice %arg4[%mul3A_2, %dma_wait3A_274] : memref<32768x1024xf32, #tpu.memory_space<hbm>> -> memref<8x1024xf32, #tpu.memory_space<hbm>>
        tpu.wait_dma2 semaphore(%arg29 : memref<!tpu.dma_semaphore, #tpu.memory_space<semaphore_mem>>) src(%arg13 : memref<8x1024xf32, #tpu.memory_space<vmem>>) dst(%dma_wait3A_275 : memref<8x1024xf32, #tpu.memory_space<hbm>>)
      } else {
      }
      %add3A_107 = arith.constant 5 : i32
      %add3A_108 = arith.addi %add3A_101, %add3A_107 : i32
      %lt3A_109 = arith.constant 128 : i32
      %lt3A_110 = arith.cmpi slt, %add3A_108, %lt3A_109 : i32
      %convert_element_type3A_111 = arith.extui %lt3A_110 : i1 to i32
      %cond3A_112 = arith.constant 0 : i32
      %cond3A_113 = arith.cmpi ne, %convert_element_type3A_111, %cond3A_112 : i32
      scf.if %cond3A_113 {
        %add3A_272 = arith.constant 5 : i32
        %add3A_273 = arith.addi %add3A_101, %add3A_272 : i32
        %mul3A_274 = arith.constant 8 : i32
        %mul3A_275 = arith.muli %add3A_273, %mul3A_274 : i32
        %dma_start3A_276 = tpu.memref_slice %arg5[%mul3A_275] : memref<1024xi32, #tpu.memory_space<vmem>> -> memref<8xi32, #tpu.memory_space<vmem>>
        %dma_start3A_277 = arith.constant 0 : i32
        %dma_start3A_278 = arith.constant 0 : i32
        %dma_start3A_279 = tpu.memref_slice %arg2[%dma_start3A_277, %dma_start3A_278] : memref<8192x1024xf32, #tpu.memory_space<hbm>> -> memref<8192x1024xf32, #tpu.memory_space<hbm>>
        tpu.enqueue_indirect_dma source(%dma_start3A_279 : memref<8192x1024xf32, #tpu.memory_space<hbm>>) target(%arg13 : memref<8x1024xf32, #tpu.memory_space<vmem>>) offsets(%dma_start3A_276 : memref<8xi32, #tpu.memory_space<vmem>>) semaphore(%arg21 : memref<!tpu.dma_semaphore, #tpu.memory_space<semaphore_mem>>)
      } else {
      }
      %dma_wait3A_114 = arith.constant 0 : i32
      %dma_wait3A_115 = arith.constant 0 : i32
      %dma_wait3A_116 = tpu.memref_slice %arg2[%dma_wait3A_114, %dma_wait3A_115] : memref<8192x1024xf32, #tpu.memory_space<hbm>> -> memref<8x1024xf32, #tpu.memory_space<hbm>>
      %dma_wait3A_117 = arith.constant 0 : i32
      %dma_wait3A_118 = arith.constant 0 : i32
      %dma_wait3A_119 = tpu.memref_slice %arg2[%dma_wait3A_117, %dma_wait3A_118] : memref<8192x1024xf32, #tpu.memory_space<hbm>> -> memref<8x1024xf32, #tpu.memory_space<hbm>>
      tpu.wait_dma2 semaphore(%arg16 : memref<!tpu.dma_semaphore, #tpu.memory_space<semaphore_mem>>) src(%dma_wait3A_119 : memref<8x1024xf32, #tpu.memory_space<hbm>>) dst(%arg8 : memref<8x1024xf32, #tpu.memory_space<vmem>>)
      %mul3A_120 = arith.constant 8 : i32
      %mul3A_121 = arith.muli %add3A_101, %mul3A_120 : i32
      %add3A_122 = arith.addi %mul3A_2, %mul3A_121 : i32
      %dma_start3A_123 = arith.constant 0 : i32
      %dma_start3A_124 = tpu.memref_slice %arg4[%add3A_122, %dma_start3A_123] : memref<32768x1024xf32, #tpu.memory_space<hbm>> -> memref<8x1024xf32, #tpu.memory_space<hbm>>
      %dma_start3A_125 = arith.constant 0 : i32
      %dma_start3A_126 = tpu.memref_slice %arg4[%add3A_122, %dma_start3A_125] : memref<32768x1024xf32, #tpu.memory_space<hbm>> -> memref<8x1024xf32, #tpu.memory_space<hbm>>
      tpu.enqueue_dma source(%arg8 : memref<8x1024xf32, #tpu.memory_space<vmem>>) target(%dma_start3A_126 : memref<8x1024xf32, #tpu.memory_space<hbm>>) target_semaphore(%arg24 : memref<!tpu.dma_semaphore, #tpu.memory_space<semaphore_mem>>)
      %mul3A_127 = arith.constant 8 : i32
      %mul3A_128 = arith.muli %scan3A_43, %mul3A_127 : i32
      %add3A_129 = arith.constant 3 : i32
      %add3A_130 = arith.addi %mul3A_128, %add3A_129 : i32
      %ge3A_131 = arith.constant 3 : i32
      %ge3A_132 = arith.cmpi sge, %add3A_130, %ge3A_131 : i32
      %convert_element_type3A_133 = arith.extui %ge3A_132 : i1 to i32
      %cond3A_134 = arith.constant 0 : i32
      %cond3A_135 = arith.cmpi ne, %convert_element_type3A_133, %cond3A_134 : i32
      scf.if %cond3A_135 {
        %dma_wait3A_272 = arith.constant 0 : i32
        %dma_wait3A_273 = tpu.memref_slice %arg4[%mul3A_2, %dma_wait3A_272] : memref<32768x1024xf32, #tpu.memory_space<hbm>> -> memref<8x1024xf32, #tpu.memory_space<hbm>>
        %dma_wait3A_274 = arith.constant 0 : i32
        %dma_wait3A_275 = tpu.memref_slice %arg4[%mul3A_2, %dma_wait3A_274] : memref<32768x1024xf32, #tpu.memory_space<hbm>> -> memref<8x1024xf32, #tpu.memory_space<hbm>>
        tpu.wait_dma2 semaphore(%arg22 : memref<!tpu.dma_semaphore, #tpu.memory_space<semaphore_mem>>) src(%arg6 : memref<8x1024xf32, #tpu.memory_space<vmem>>) dst(%dma_wait3A_275 : memref<8x1024xf32, #tpu.memory_space<hbm>>)
      } else {
      }
      %add3A_136 = arith.constant 5 : i32
      %add3A_137 = arith.addi %add3A_130, %add3A_136 : i32
      %lt3A_138 = arith.constant 128 : i32
      %lt3A_139 = arith.cmpi slt, %add3A_137, %lt3A_138 : i32
      %convert_element_type3A_140 = arith.extui %lt3A_139 : i1 to i32
      %cond3A_141 = arith.constant 0 : i32
      %cond3A_142 = arith.cmpi ne, %convert_element_type3A_140, %cond3A_141 : i32
      scf.if %cond3A_142 {
        %add3A_272 = arith.constant 5 : i32
        %add3A_273 = arith.addi %add3A_130, %add3A_272 : i32
        %mul3A_274 = arith.constant 8 : i32
        %mul3A_275 = arith.muli %add3A_273, %mul3A_274 : i32
        %dma_start3A_276 = tpu.memref_slice %arg5[%mul3A_275] : memref<1024xi32, #tpu.memory_space<vmem>> -> memref<8xi32, #tpu.memory_space<vmem>>
        %dma_start3A_277 = arith.constant 0 : i32
        %dma_start3A_278 = arith.constant 0 : i32
        %dma_start3A_279 = tpu.memref_slice %arg2[%dma_start3A_277, %dma_start3A_278] : memref<8192x1024xf32, #tpu.memory_space<hbm>> -> memref<8192x1024xf32, #tpu.memory_space<hbm>>
        tpu.enqueue_indirect_dma source(%dma_start3A_279 : memref<8192x1024xf32, #tpu.memory_space<hbm>>) target(%arg6 : memref<8x1024xf32, #tpu.memory_space<vmem>>) offsets(%dma_start3A_276 : memref<8xi32, #tpu.memory_space<vmem>>) semaphore(%arg14 : memref<!tpu.dma_semaphore, #tpu.memory_space<semaphore_mem>>)
      } else {
      }
      %dma_wait3A_143 = arith.constant 0 : i32
      %dma_wait3A_144 = arith.constant 0 : i32
      %dma_wait3A_145 = tpu.memref_slice %arg2[%dma_wait3A_143, %dma_wait3A_144] : memref<8192x1024xf32, #tpu.memory_space<hbm>> -> memref<8x1024xf32, #tpu.memory_space<hbm>>
      %dma_wait3A_146 = arith.constant 0 : i32
      %dma_wait3A_147 = arith.constant 0 : i32
      %dma_wait3A_148 = tpu.memref_slice %arg2[%dma_wait3A_146, %dma_wait3A_147] : memref<8192x1024xf32, #tpu.memory_space<hbm>> -> memref<8x1024xf32, #tpu.memory_space<hbm>>
      tpu.wait_dma2 semaphore(%arg17 : memref<!tpu.dma_semaphore, #tpu.memory_space<semaphore_mem>>) src(%dma_wait3A_148 : memref<8x1024xf32, #tpu.memory_space<hbm>>) dst(%arg9 : memref<8x1024xf32, #tpu.memory_space<vmem>>)
      %mul3A_149 = arith.constant 8 : i32
      %mul3A_150 = arith.muli %add3A_130, %mul3A_149 : i32
      %add3A_151 = arith.addi %mul3A_2, %mul3A_150 : i32
      %dma_start3A_152 = arith.constant 0 : i32
      %dma_start3A_153 = tpu.memref_slice %arg4[%add3A_151, %dma_start3A_152] : memref<32768x1024xf32, #tpu.memory_space<hbm>> -> memref<8x1024xf32, #tpu.memory_space<hbm>>
      %dma_start3A_154 = arith.constant 0 : i32
      %dma_start3A_155 = tpu.memref_slice %arg4[%add3A_151, %dma_start3A_154] : memref<32768x1024xf32, #tpu.memory_space<hbm>> -> memref<8x1024xf32, #tpu.memory_space<hbm>>
      tpu.enqueue_dma source(%arg9 : memref<8x1024xf32, #tpu.memory_space<vmem>>) target(%dma_start3A_155 : memref<8x1024xf32, #tpu.memory_space<hbm>>) target_semaphore(%arg25 : memref<!tpu.dma_semaphore, #tpu.memory_space<semaphore_mem>>)
      %mul3A_156 = arith.constant 8 : i32
      %mul3A_157 = arith.muli %scan3A_43, %mul3A_156 : i32
      %add3A_158 = arith.constant 4 : i32
      %add3A_159 = arith.addi %mul3A_157, %add3A_158 : i32
      %ge3A_160 = arith.constant 3 : i32
      %ge3A_161 = arith.cmpi sge, %add3A_159, %ge3A_160 : i32
      %convert_element_type3A_162 = arith.extui %ge3A_161 : i1 to i32
      %cond3A_163 = arith.constant 0 : i32
      %cond3A_164 = arith.cmpi ne, %convert_element_type3A_162, %cond3A_163 : i32
      scf.if %cond3A_164 {
        %dma_wait3A_272 = arith.constant 0 : i32
        %dma_wait3A_273 = tpu.memref_slice %arg4[%mul3A_2, %dma_wait3A_272] : memref<32768x1024xf32, #tpu.memory_space<hbm>> -> memref<8x1024xf32, #tpu.memory_space<hbm>>
        %dma_wait3A_274 = arith.constant 0 : i32
        %dma_wait3A_275 = tpu.memref_slice %arg4[%mul3A_2, %dma_wait3A_274] : memref<32768x1024xf32, #tpu.memory_space<hbm>> -> memref<8x1024xf32, #tpu.memory_space<hbm>>
        tpu.wait_dma2 semaphore(%arg23 : memref<!tpu.dma_semaphore, #tpu.memory_space<semaphore_mem>>) src(%arg7 : memref<8x1024xf32, #tpu.memory_space<vmem>>) dst(%dma_wait3A_275 : memref<8x1024xf32, #tpu.memory_space<hbm>>)
      } else {
      }
      %add3A_165 = arith.constant 5 : i32
      %add3A_166 = arith.addi %add3A_159, %add3A_165 : i32
      %lt3A_167 = arith.constant 128 : i32
      %lt3A_168 = arith.cmpi slt, %add3A_166, %lt3A_167 : i32
      %convert_element_type3A_169 = arith.extui %lt3A_168 : i1 to i32
      %cond3A_170 = arith.constant 0 : i32
      %cond3A_171 = arith.cmpi ne, %convert_element_type3A_169, %cond3A_170 : i32
      scf.if %cond3A_171 {
        %add3A_272 = arith.constant 5 : i32
        %add3A_273 = arith.addi %add3A_159, %add3A_272 : i32
        %mul3A_274 = arith.constant 8 : i32
        %mul3A_275 = arith.muli %add3A_273, %mul3A_274 : i32
        %dma_start3A_276 = tpu.memref_slice %arg5[%mul3A_275] : memref<1024xi32, #tpu.memory_space<vmem>> -> memref<8xi32, #tpu.memory_space<vmem>>
        %dma_start3A_277 = arith.constant 0 : i32
        %dma_start3A_278 = arith.constant 0 : i32
        %dma_start3A_279 = tpu.memref_slice %arg2[%dma_start3A_277, %dma_start3A_278] : memref<8192x1024xf32, #tpu.memory_space<hbm>> -> memref<8192x1024xf32, #tpu.memory_space<hbm>>
        tpu.enqueue_indirect_dma source(%dma_start3A_279 : memref<8192x1024xf32, #tpu.memory_space<hbm>>) target(%arg7 : memref<8x1024xf32, #tpu.memory_space<vmem>>) offsets(%dma_start3A_276 : memref<8xi32, #tpu.memory_space<vmem>>) semaphore(%arg15 : memref<!tpu.dma_semaphore, #tpu.memory_space<semaphore_mem>>)
      } else {
      }
      %dma_wait3A_172 = arith.constant 0 : i32
      %dma_wait3A_173 = arith.constant 0 : i32
      %dma_wait3A_174 = tpu.memref_slice %arg2[%dma_wait3A_172, %dma_wait3A_173] : memref<8192x1024xf32, #tpu.memory_space<hbm>> -> memref<8x1024xf32, #tpu.memory_space<hbm>>
      %dma_wait3A_175 = arith.constant 0 : i32
      %dma_wait3A_176 = arith.constant 0 : i32
      %dma_wait3A_177 = tpu.memref_slice %arg2[%dma_wait3A_175, %dma_wait3A_176] : memref<8192x1024xf32, #tpu.memory_space<hbm>> -> memref<8x1024xf32, #tpu.memory_space<hbm>>
      tpu.wait_dma2 semaphore(%arg18 : memref<!tpu.dma_semaphore, #tpu.memory_space<semaphore_mem>>) src(%dma_wait3A_177 : memref<8x1024xf32, #tpu.memory_space<hbm>>) dst(%arg10 : memref<8x1024xf32, #tpu.memory_space<vmem>>)
      %mul3A_178 = arith.constant 8 : i32
      %mul3A_179 = arith.muli %add3A_159, %mul3A_178 : i32
      %add3A_180 = arith.addi %mul3A_2, %mul3A_179 : i32
      %dma_start3A_181 = arith.constant 0 : i32
      %dma_start3A_182 = tpu.memref_slice %arg4[%add3A_180, %dma_start3A_181] : memref<32768x1024xf32, #tpu.memory_space<hbm>> -> memref<8x1024xf32, #tpu.memory_space<hbm>>
      %dma_start3A_183 = arith.constant 0 : i32
      %dma_start3A_184 = tpu.memref_slice %arg4[%add3A_180, %dma_start3A_183] : memref<32768x1024xf32, #tpu.memory_space<hbm>> -> memref<8x1024xf32, #tpu.memory_space<hbm>>
      tpu.enqueue_dma source(%arg10 : memref<8x1024xf32, #tpu.memory_space<vmem>>) target(%dma_start3A_184 : memref<8x1024xf32, #tpu.memory_space<hbm>>) target_semaphore(%arg26 : memref<!tpu.dma_semaphore, #tpu.memory_space<semaphore_mem>>)
      %mul3A_185 = arith.constant 8 : i32
      %mul3A_186 = arith.muli %scan3A_43, %mul3A_185 : i32
      %add3A_187 = arith.constant 5 : i32
      %add3A_188 = arith.addi %mul3A_186, %add3A_187 : i32
      %ge3A_189 = arith.constant 3 : i32
      %ge3A_190 = arith.cmpi sge, %add3A_188, %ge3A_189 : i32
      %convert_element_type3A_191 = arith.extui %ge3A_190 : i1 to i32
      %cond3A_192 = arith.constant 0 : i32
      %cond3A_193 = arith.cmpi ne, %convert_element_type3A_191, %cond3A_192 : i32
      scf.if %cond3A_193 {
        %dma_wait3A_272 = arith.constant 0 : i32
        %dma_wait3A_273 = tpu.memref_slice %arg4[%mul3A_2, %dma_wait3A_272] : memref<32768x1024xf32, #tpu.memory_space<hbm>> -> memref<8x1024xf32, #tpu.memory_space<hbm>>
        %dma_wait3A_274 = arith.constant 0 : i32
        %dma_wait3A_275 = tpu.memref_slice %arg4[%mul3A_2, %dma_wait3A_274] : memref<32768x1024xf32, #tpu.memory_space<hbm>> -> memref<8x1024xf32, #tpu.memory_space<hbm>>
        tpu.wait_dma2 semaphore(%arg24 : memref<!tpu.dma_semaphore, #tpu.memory_space<semaphore_mem>>) src(%arg8 : memref<8x1024xf32, #tpu.memory_space<vmem>>) dst(%dma_wait3A_275 : memref<8x1024xf32, #tpu.memory_space<hbm>>)
      } else {
      }
      %add3A_194 = arith.constant 5 : i32
      %add3A_195 = arith.addi %add3A_188, %add3A_194 : i32
      %lt3A_196 = arith.constant 128 : i32
      %lt3A_197 = arith.cmpi slt, %add3A_195, %lt3A_196 : i32
      %convert_element_type3A_198 = arith.extui %lt3A_197 : i1 to i32
      %cond3A_199 = arith.constant 0 : i32
      %cond3A_200 = arith.cmpi ne, %convert_element_type3A_198, %cond3A_199 : i32
      scf.if %cond3A_200 {
        %add3A_272 = arith.constant 5 : i32
        %add3A_273 = arith.addi %add3A_188, %add3A_272 : i32
        %mul3A_274 = arith.constant 8 : i32
        %mul3A_275 = arith.muli %add3A_273, %mul3A_274 : i32
        %dma_start3A_276 = tpu.memref_slice %arg5[%mul3A_275] : memref<1024xi32, #tpu.memory_space<vmem>> -> memref<8xi32, #tpu.memory_space<vmem>>
        %dma_start3A_277 = arith.constant 0 : i32
        %dma_start3A_278 = arith.constant 0 : i32
        %dma_start3A_279 = tpu.memref_slice %arg2[%dma_start3A_277, %dma_start3A_278] : memref<8192x1024xf32, #tpu.memory_space<hbm>> -> memref<8192x1024xf32, #tpu.memory_space<hbm>>
        tpu.enqueue_indirect_dma source(%dma_start3A_279 : memref<8192x1024xf32, #tpu.memory_space<hbm>>) target(%arg8 : memref<8x1024xf32, #tpu.memory_space<vmem>>) offsets(%dma_start3A_276 : memref<8xi32, #tpu.memory_space<vmem>>) semaphore(%arg16 : memref<!tpu.dma_semaphore, #tpu.memory_space<semaphore_mem>>)
      } else {
      }
      %dma_wait3A_201 = arith.constant 0 : i32
      %dma_wait3A_202 = arith.constant 0 : i32
      %dma_wait3A_203 = tpu.memref_slice %arg2[%dma_wait3A_201, %dma_wait3A_202] : memref<8192x1024xf32, #tpu.memory_space<hbm>> -> memref<8x1024xf32, #tpu.memory_space<hbm>>
      %dma_wait3A_204 = arith.constant 0 : i32
      %dma_wait3A_205 = arith.constant 0 : i32
      %dma_wait3A_206 = tpu.memref_slice %arg2[%dma_wait3A_204, %dma_wait3A_205] : memref<8192x1024xf32, #tpu.memory_space<hbm>> -> memref<8x1024xf32, #tpu.memory_space<hbm>>
      tpu.wait_dma2 semaphore(%arg19 : memref<!tpu.dma_semaphore, #tpu.memory_space<semaphore_mem>>) src(%dma_wait3A_206 : memref<8x1024xf32, #tpu.memory_space<hbm>>) dst(%arg11 : memref<8x1024xf32, #tpu.memory_space<vmem>>)
      %mul3A_207 = arith.constant 8 : i32
      %mul3A_208 = arith.muli %add3A_188, %mul3A_207 : i32
      %add3A_209 = arith.addi %mul3A_2, %mul3A_208 : i32
      %dma_start3A_210 = arith.constant 0 : i32
      %dma_start3A_211 = tpu.memref_slice %arg4[%add3A_209, %dma_start3A_210] : memref<32768x1024xf32, #tpu.memory_space<hbm>> -> memref<8x1024xf32, #tpu.memory_space<hbm>>
      %dma_start3A_212 = arith.constant 0 : i32
      %dma_start3A_213 = tpu.memref_slice %arg4[%add3A_209, %dma_start3A_212] : memref<32768x1024xf32, #tpu.memory_space<hbm>> -> memref<8x1024xf32, #tpu.memory_space<hbm>>
      tpu.enqueue_dma source(%arg11 : memref<8x1024xf32, #tpu.memory_space<vmem>>) target(%dma_start3A_213 : memref<8x1024xf32, #tpu.memory_space<hbm>>) target_semaphore(%arg27 : memref<!tpu.dma_semaphore, #tpu.memory_space<semaphore_mem>>)
      %mul3A_214 = arith.constant 8 : i32
      %mul3A_215 = arith.muli %scan3A_43, %mul3A_214 : i32
      %add3A_216 = arith.constant 6 : i32
      %add3A_217 = arith.addi %mul3A_215, %add3A_216 : i32
      %ge3A_218 = arith.constant 3 : i32
      %ge3A_219 = arith.cmpi sge, %add3A_217, %ge3A_218 : i32
      %convert_element_type3A_220 = arith.extui %ge3A_219 : i1 to i32
      %cond3A_221 = arith.constant 0 : i32
      %cond3A_222 = arith.cmpi ne, %convert_element_type3A_220, %cond3A_221 : i32
      scf.if %cond3A_222 {
        %dma_wait3A_272 = arith.constant 0 : i32
        %dma_wait3A_273 = tpu.memref_slice %arg4[%mul3A_2, %dma_wait3A_272] : memref<32768x1024xf32, #tpu.memory_space<hbm>> -> memref<8x1024xf32, #tpu.memory_space<hbm>>
        %dma_wait3A_274 = arith.constant 0 : i32
        %dma_wait3A_275 = tpu.memref_slice %arg4[%mul3A_2, %dma_wait3A_274] : memref<32768x1024xf32, #tpu.memory_space<hbm>> -> memref<8x1024xf32, #tpu.memory_space<hbm>>
        tpu.wait_dma2 semaphore(%arg25 : memref<!tpu.dma_semaphore, #tpu.memory_space<semaphore_mem>>) src(%arg9 : memref<8x1024xf32, #tpu.memory_space<vmem>>) dst(%dma_wait3A_275 : memref<8x1024xf32, #tpu.memory_space<hbm>>)
      } else {
      }
      %add3A_223 = arith.constant 5 : i32
      %add3A_224 = arith.addi %add3A_217, %add3A_223 : i32
      %lt3A_225 = arith.constant 128 : i32
      %lt3A_226 = arith.cmpi slt, %add3A_224, %lt3A_225 : i32
      %convert_element_type3A_227 = arith.extui %lt3A_226 : i1 to i32
      %cond3A_228 = arith.constant 0 : i32
      %cond3A_229 = arith.cmpi ne, %convert_element_type3A_227, %cond3A_228 : i32
      scf.if %cond3A_229 {
        %add3A_272 = arith.constant 5 : i32
        %add3A_273 = arith.addi %add3A_217, %add3A_272 : i32
        %mul3A_274 = arith.constant 8 : i32
        %mul3A_275 = arith.muli %add3A_273, %mul3A_274 : i32
        %dma_start3A_276 = tpu.memref_slice %arg5[%mul3A_275] : memref<1024xi32, #tpu.memory_space<vmem>> -> memref<8xi32, #tpu.memory_space<vmem>>
        %dma_start3A_277 = arith.constant 0 : i32
        %dma_start3A_278 = arith.constant 0 : i32
        %dma_start3A_279 = tpu.memref_slice %arg2[%dma_start3A_277, %dma_start3A_278] : memref<8192x1024xf32, #tpu.memory_space<hbm>> -> memref<8192x1024xf32, #tpu.memory_space<hbm>>
        tpu.enqueue_indirect_dma source(%dma_start3A_279 : memref<8192x1024xf32, #tpu.memory_space<hbm>>) target(%arg9 : memref<8x1024xf32, #tpu.memory_space<vmem>>) offsets(%dma_start3A_276 : memref<8xi32, #tpu.memory_space<vmem>>) semaphore(%arg17 : memref<!tpu.dma_semaphore, #tpu.memory_space<semaphore_mem>>)
      } else {
      }
      %dma_wait3A_230 = arith.constant 0 : i32
      %dma_wait3A_231 = arith.constant 0 : i32
      %dma_wait3A_232 = tpu.memref_slice %arg2[%dma_wait3A_230, %dma_wait3A_231] : memref<8192x1024xf32, #tpu.memory_space<hbm>> -> memref<8x1024xf32, #tpu.memory_space<hbm>>
      %dma_wait3A_233 = arith.constant 0 : i32
      %dma_wait3A_234 = arith.constant 0 : i32
      %dma_wait3A_235 = tpu.memref_slice %arg2[%dma_wait3A_233, %dma_wait3A_234] : memref<8192x1024xf32, #tpu.memory_space<hbm>> -> memref<8x1024xf32, #tpu.memory_space<hbm>>
      tpu.wait_dma2 semaphore(%arg20 : memref<!tpu.dma_semaphore, #tpu.memory_space<semaphore_mem>>) src(%dma_wait3A_235 : memref<8x1024xf32, #tpu.memory_space<hbm>>) dst(%arg12 : memref<8x1024xf32, #tpu.memory_space<vmem>>)
      %mul3A_236 = arith.constant 8 : i32
      %mul3A_237 = arith.muli %add3A_217, %mul3A_236 : i32
      %add3A_238 = arith.addi %mul3A_2, %mul3A_237 : i32
      %dma_start3A_239 = arith.constant 0 : i32
      %dma_start3A_240 = tpu.memref_slice %arg4[%add3A_238, %dma_start3A_239] : memref<32768x1024xf32, #tpu.memory_space<hbm>> -> memref<8x1024xf32, #tpu.memory_space<hbm>>
      %dma_start3A_241 = arith.constant 0 : i32
      %dma_start3A_242 = tpu.memref_slice %arg4[%add3A_238, %dma_start3A_241] : memref<32768x1024xf32, #tpu.memory_space<hbm>> -> memref<8x1024xf32, #tpu.memory_space<hbm>>
      tpu.enqueue_dma source(%arg12 : memref<8x1024xf32, #tpu.memory_space<vmem>>) target(%dma_start3A_242 : memref<8x1024xf32, #tpu.memory_space<hbm>>) target_semaphore(%arg28 : memref<!tpu.dma_semaphore, #tpu.memory_space<semaphore_mem>>)
      %mul3A_243 = arith.constant 8 : i32
      %mul3A_244 = arith.muli %scan3A_43, %mul3A_243 : i32
      %add3A_245 = arith.constant 7 : i32
      %add3A_246 = arith.addi %mul3A_244, %add3A_245 : i32
      %ge3A_247 = arith.constant 3 : i32
      %ge3A_248 = arith.cmpi sge, %add3A_246, %ge3A_247 : i32
      %convert_element_type3A_249 = arith.extui %ge3A_248 : i1 to i32
      %cond3A_250 = arith.constant 0 : i32
      %cond3A_251 = arith.cmpi ne, %convert_element_type3A_249, %cond3A_250 : i32
      scf.if %cond3A_251 {
        %dma_wait3A_272 = arith.constant 0 : i32
        %dma_wait3A_273 = tpu.memref_slice %arg4[%mul3A_2, %dma_wait3A_272] : memref<32768x1024xf32, #tpu.memory_space<hbm>> -> memref<8x1024xf32, #tpu.memory_space<hbm>>
        %dma_wait3A_274 = arith.constant 0 : i32
        %dma_wait3A_275 = tpu.memref_slice %arg4[%mul3A_2, %dma_wait3A_274] : memref<32768x1024xf32, #tpu.memory_space<hbm>> -> memref<8x1024xf32, #tpu.memory_space<hbm>>
        tpu.wait_dma2 semaphore(%arg26 : memref<!tpu.dma_semaphore, #tpu.memory_space<semaphore_mem>>) src(%arg10 : memref<8x1024xf32, #tpu.memory_space<vmem>>) dst(%dma_wait3A_275 : memref<8x1024xf32, #tpu.memory_space<hbm>>)
      } else {
      }
      %add3A_252 = arith.constant 5 : i32
      %add3A_253 = arith.addi %add3A_246, %add3A_252 : i32
      %lt3A_254 = arith.constant 128 : i32
      %lt3A_255 = arith.cmpi slt, %add3A_253, %lt3A_254 : i32
      %convert_element_type3A_256 = arith.extui %lt3A_255 : i1 to i32
      %cond3A_257 = arith.constant 0 : i32
      %cond3A_258 = arith.cmpi ne, %convert_element_type3A_256, %cond3A_257 : i32
      scf.if %cond3A_258 {
        %add3A_272 = arith.constant 5 : i32
        %add3A_273 = arith.addi %add3A_246, %add3A_272 : i32
        %mul3A_274 = arith.constant 8 : i32
        %mul3A_275 = arith.muli %add3A_273, %mul3A_274 : i32
        %dma_start3A_276 = tpu.memref_slice %arg5[%mul3A_275] : memref<1024xi32, #tpu.memory_space<vmem>> -> memref<8xi32, #tpu.memory_space<vmem>>
        %dma_start3A_277 = arith.constant 0 : i32
        %dma_start3A_278 = arith.constant 0 : i32
        %dma_start3A_279 = tpu.memref_slice %arg2[%dma_start3A_277, %dma_start3A_278] : memref<8192x1024xf32, #tpu.memory_space<hbm>> -> memref<8192x1024xf32, #tpu.memory_space<hbm>>
        tpu.enqueue_indirect_dma source(%dma_start3A_279 : memref<8192x1024xf32, #tpu.memory_space<hbm>>) target(%arg10 : memref<8x1024xf32, #tpu.memory_space<vmem>>) offsets(%dma_start3A_276 : memref<8xi32, #tpu.memory_space<vmem>>) semaphore(%arg18 : memref<!tpu.dma_semaphore, #tpu.memory_space<semaphore_mem>>)
      } else {
      }
      %dma_wait3A_259 = arith.constant 0 : i32
      %dma_wait3A_260 = arith.constant 0 : i32
      %dma_wait3A_261 = tpu.memref_slice %arg2[%dma_wait3A_259, %dma_wait3A_260] : memref<8192x1024xf32, #tpu.memory_space<hbm>> -> memref<8x1024xf32, #tpu.memory_space<hbm>>
      %dma_wait3A_262 = arith.constant 0 : i32
      %dma_wait3A_263 = arith.constant 0 : i32
      %dma_wait3A_264 = tpu.memref_slice %arg2[%dma_wait3A_262, %dma_wait3A_263] : memref<8192x1024xf32, #tpu.memory_space<hbm>> -> memref<8x1024xf32, #tpu.memory_space<hbm>>
      tpu.wait_dma2 semaphore(%arg21 : memref<!tpu.dma_semaphore, #tpu.memory_space<semaphore_mem>>) src(%dma_wait3A_264 : memref<8x1024xf32, #tpu.memory_space<hbm>>) dst(%arg13 : memref<8x1024xf32, #tpu.memory_space<vmem>>)
      %mul3A_265 = arith.constant 8 : i32
      %mul3A_266 = arith.muli %add3A_246, %mul3A_265 : i32
      %add3A_267 = arith.addi %mul3A_2, %mul3A_266 : i32
      %dma_start3A_268 = arith.constant 0 : i32
      %dma_start3A_269 = tpu.memref_slice %arg4[%add3A_267, %dma_start3A_268] : memref<32768x1024xf32, #tpu.memory_space<hbm>> -> memref<8x1024xf32, #tpu.memory_space<hbm>>
      %dma_start3A_270 = arith.constant 0 : i32
      %dma_start3A_271 = tpu.memref_slice %arg4[%add3A_267, %dma_start3A_270] : memref<32768x1024xf32, #tpu.memory_space<hbm>> -> memref<8x1024xf32, #tpu.memory_space<hbm>>
      tpu.enqueue_dma source(%arg13 : memref<8x1024xf32, #tpu.memory_space<vmem>>) target(%dma_start3A_271 : memref<8x1024xf32, #tpu.memory_space<hbm>>) target_semaphore(%arg29 : memref<!tpu.dma_semaphore, #tpu.memory_space<semaphore_mem>>)
    }
    %scan3A_31 = arith.constant 16 : i32
    %dma_wait3A = arith.constant 0 : i32
    %dma_wait3A_32 = tpu.memref_slice %arg4[%mul3A_2, %dma_wait3A] : memref<32768x1024xf32, #tpu.memory_space<hbm>> -> memref<8x1024xf32, #tpu.memory_space<hbm>>
    %dma_wait3A_33 = arith.constant 0 : i32
    %dma_wait3A_34 = tpu.memref_slice %arg4[%mul3A_2, %dma_wait3A_33] : memref<32768x1024xf32, #tpu.memory_space<hbm>> -> memref<8x1024xf32, #tpu.memory_space<hbm>>
    tpu.wait_dma2 semaphore(%arg27 : memref<!tpu.dma_semaphore, #tpu.memory_space<semaphore_mem>>) src(%arg11 : memref<8x1024xf32, #tpu.memory_space<vmem>>) dst(%dma_wait3A_34 : memref<8x1024xf32, #tpu.memory_space<hbm>>)
    %dma_wait3A_35 = arith.constant 0 : i32
    %dma_wait3A_36 = tpu.memref_slice %arg4[%mul3A_2, %dma_wait3A_35] : memref<32768x1024xf32, #tpu.memory_space<hbm>> -> memref<8x1024xf32, #tpu.memory_space<hbm>>
    %dma_wait3A_37 = arith.constant 0 : i32
    %dma_wait3A_38 = tpu.memref_slice %arg4[%mul3A_2, %dma_wait3A_37] : memref<32768x1024xf32, #tpu.memory_space<hbm>> -> memref<8x1024xf32, #tpu.memory_space<hbm>>
    tpu.wait_dma2 semaphore(%arg28 : memref<!tpu.dma_semaphore, #tpu.memory_space<semaphore_mem>>) src(%arg12 : memref<8x1024xf32, #tpu.memory_space<vmem>>) dst(%dma_wait3A_38 : memref<8x1024xf32, #tpu.memory_space<hbm>>)
    %dma_wait3A_39 = arith.constant 0 : i32
    %dma_wait3A_40 = tpu.memref_slice %arg4[%mul3A_2, %dma_wait3A_39] : memref<32768x1024xf32, #tpu.memory_space<hbm>> -> memref<8x1024xf32, #tpu.memory_space<hbm>>
    %dma_wait3A_41 = arith.constant 0 : i32
    %dma_wait3A_42 = tpu.memref_slice %arg4[%mul3A_2, %dma_wait3A_41] : memref<32768x1024xf32, #tpu.memory_space<hbm>> -> memref<8x1024xf32, #tpu.memory_space<hbm>>
    tpu.wait_dma2 semaphore(%arg29 : memref<!tpu.dma_semaphore, #tpu.memory_space<semaphore_mem>>) src(%arg13 : memref<8x1024xf32, #tpu.memory_space<vmem>>) dst(%dma_wait3A_42 : memref<8x1024xf32, #tpu.memory_space<hbm>>)
    return
  }
}

</mosaic_0001>

<sc_bundles>
// kernel: kernel.3.cloned.1.call-start
scs
__scs_entry_jumppad:
0x0: {  	(pc) =	sbr.rel $0x88, $3  }
0x1: {  	(tag) =	ssettag $0x0;
	lr =	simm.s32 $0x1  }
0x2: {  	[smem:$0x3F9F] =	sst lr;
	_ =	strace $0xD0000000  }
0x3: {  	_ = 	snop  }
0x4: {  	_ = 	snop  }
0x5: {  	_ = 	snop  }
0x6: {  	_ = 	snop  }
0x7: {  	_ = 	snop  }
__scs_overlays_trampoline_lowered:
0x8: {  	[smem:$0x3FAE] =	sst s0  }
0x9: {  	[smem:$0x3FAF] =	sst s1  }
0xa: {  	[smem:$0x3FB0] =	sst s2  }
0xb: {  	[smem:$0x3FB1] =	sst s3  }
0xc: {  	[smem:$0x3FB2] =	sst s4  }
0xd: {  	[smem:$0x3FB3] =	sst s5  }
0xe: {  	[smem:$0x3FB4] =	sst s6  }
0xf: {  	[smem:$0x3FB5] =	sst s7  }
0x10: {  	[smem:$0x3FB6] =	sst s8  }
0x11: {  	[smem:$0x3FB7] =	sst s9;
	s0 =	simm.s32 @!p0 $0x0  }
0x12: {  	s1 =	sld [smem:$0x3F9D];
	s0 =	simm.s32 @p0 $0x1  }
0x13: {  	[smem:$0x3FB8] =	sst s0;
	s0 =	simm.s32 @!p1 $0x0  }
0x14: {  	s2 =	sld [smem:$0x3F9C];
	s0 =	simm.s32 @p1 $0x1  }
0x15: {  	[smem:$0x3FB9] =	sst s0;
	s0 =	simm.s32 @!p2 $0x0  }
0x16: {  	s3 =	sld [smem:$0x3FDB];
	s0 =	simm.s32 @p2 $0x1  }
0x17: {  	s4 =	simm.s32 $0x1BF5;
	[smem:$0x3FBB] =	sst s0  }
0x18: {  	s0 =	sld [smem:$0x3F9E];
	_ =	swait.ge [sflag:s4], $0x0  }
0x19: {  	s7 =	sld [smem:$0x3F9F]  }
0x1a: {  	s8 =	sadd.s32 $0xFFFFE003, lr  }
0x1b: {  	s9 =	sadd.s32 $0xFFFFFEF7, lr;
	s5 =	simm.s32 $0xFFFFFFFF;
	p2 =	slt.u32 s8, $0xFFFFF086  }
0x1c: {  	p1 =	slt.u32 s9, $0xF7A;
	s5 =	simm.s32 @!p2 $0x0  }
0x1d: {  	s5 =	simm.s32 @p1 $0x1;
	p0 =	seq.s32 s7, s2  }
0x1e: {  	s7 =	smul.u32 @!p0 $0xF7A, s2;
	p2 =	seq.s32 @!p0 s5, $0x0  }
0x1f: {  	s9 =	smul.u32 $0xF7A, s1;
	s8 =	simm.s32 @!p0 $0x1BF5;
	p2 =	por !p2, p0  }
0x20: {  	[sflag:s8] =	ssyncset.s32 @!p0 $0xFFFFF086;
	s6 =	sadd.s32 @!p0 s3, s7;
	s7 =	simm.s32 @!p0 $0x108  }
0x21: {  	s3 =	sadd.s32 s3, s9;
	s6 =	sadd.s32 @!p0 $0x88, s6;
	s7 =	simm.s32 @p2 $0x1082  }
0x22: {  	[simem:s7], [sflag:s8] =	dma.local @!p0 [hbm:s6], $0xF7A  }
0x23: {  	s9 =	sor.u32 $0xD0000000, s2;
	s6 =	simm.s32 $0x108;
	_ =	swait.ge @!p0 [sflag:s8], $0x0  }
0x24: {  	s3 =	sadd.s32 $0x88, s3;
	s6 =	simm.s32 @!p1 $0x1082;
	[sflag:s4] =	ssyncset.s32 $0xFFFFF086  }
0x25: {  	[simem:s6], [sflag:s4] =	dma.local [hbm:s3], $0xF7A  }
0x26: {  	[smem:$0x3F9F] =	sst s1;
	(tag) =	ssettag s2;
	_ =	strace s9  }
0x27: {  	s1 =	sld [smem:$0x3FAF]  }
0x28: {  	s2 =	sld [smem:$0x3FB0]  }
0x29: {  	s4 =	sld [smem:$0x3FB2]  }
0x2a: {  	p0 =	seq.s32 s5, $0x0;
	s5 =	sld [smem:$0x3FB3]  }
0x2b: {  	s6 =	sld [smem:$0x3FB4]  }
0x2c: {  	s7 =	sld [smem:$0x3FB5]  }
0x2d: {  	s3 =	simm.s32 $0x108;
	s8 =	sld [smem:$0x3FB6]  }
0x2e: {  	s3 =	simm.s32 @!p0 $0x1082;
	s9 =	sld [smem:$0x3FB7]  }
0x2f: {  	lr =	sadd.s32 s0, s3;
	s0 =	sld [smem:$0x3FAE]  }
0x30: {  	s3 =	sld [smem:$0x3FB1]  }
0x31: {  	[smem:$0x3FBA] =	sst s10  }
0x32: {  	s10 =	sld [smem:$0x3FB8];
	_ =	sdelay $0x3  }
0x33: {  	p0 =	seq.s32 s10, $0x1;
	s10 =	sld [smem:$0x3FBA];
	_ =	sdelay $0x3  }
0x34: {  	[smem:$0x3FBA] =	sst s10  }
0x35: {  	s10 =	sld [smem:$0x3FB9];
	_ =	sdelay $0x3  }
0x36: {  	p1 =	seq.s32 s10, $0x1;
	s10 =	sld [smem:$0x3FBA];
	_ =	sdelay $0x3  }
0x37: {  	[smem:$0x3FBA] =	sst s10  }
0x38: {  	s10 =	sld [smem:$0x3FBB]  }
0x39: {  	_ = 	snop;
	(pc) =	sbr.ind lr, $3  }
0x3a: {  	_ = 	snop  }
0x3b: {  	_ = 	snop  }
0x3c: {  	p2 =	seq.s32 s10, $0x1;
	s10 =	sld [smem:$0x3FBA]  }
0x3d: {  	_ =	shalt  }
0x3e: {  	_ =	shalt  }
0x3f: {  	_ =	shalt  }
0x40: {  	_ =	shalt  }
0x41: {  	_ =	shalt  }
0x42: {  	_ =	shalt  }
0x43: {  	_ =	shalt  }
0x44: {  	_ =	shalt  }
0x45: {  	_ =	shalt  }
0x46: {  	_ =	shalt  }
0x47: {  	_ =	shalt  }
0x48: {  	_ =	shalt  }
0x49: {  	_ =	shalt  }
0x4a: {  	_ =	shalt  }
0x4b: {  	_ =	shalt  }
0x4c: {  	_ =	shalt  }
0x4d: {  	_ =	shalt  }
0x4e: {  	_ =	shalt  }
0x4f: {  	_ =	shalt  }
0x50: {  	_ =	shalt  }
0x51: {  	_ =	shalt  }
0x52: {  	_ =	shalt  }
0x53: {  	_ =	shalt  }
0x54: {  	_ =	shalt  }
0x55: {  	_ =	shalt  }
0x56: {  	_ =	shalt  }
0x57: {  	_ =	shalt  }
0x58: {  	_ =	shalt  }
0x59: {  	_ =	shalt  }
0x5a: {  	_ =	shalt  }
0x5b: {  	_ =	shalt  }
0x5c: {  	_ =	shalt  }
0x5d: {  	_ =	shalt  }
0x5e: {  	_ =	shalt  }
0x5f: {  	_ =	shalt  }
0x60: {  	_ =	shalt  }
0x61: {  	_ =	shalt  }
0x62: {  	_ =	shalt  }
0x63: {  	_ =	shalt  }
0x64: {  	_ =	shalt  }
0x65: {  	_ =	shalt  }
0x66: {  	_ =	shalt  }
0x67: {  	_ =	shalt  }
0x68: {  	_ =	shalt  }
0x69: {  	_ =	shalt  }
0x6a: {  	_ =	shalt  }
0x6b: {  	_ =	shalt  }
0x6c: {  	_ =	shalt  }
0x6d: {  	_ =	shalt  }
0x6e: {  	_ =	shalt  }
0x6f: {  	_ =	shalt  }
0x70: {  	_ =	shalt  }
0x71: {  	_ =	shalt  }
0x72: {  	_ =	shalt  }
0x73: {  	_ =	shalt  }
0x74: {  	_ =	shalt  }
0x75: {  	_ =	shalt  }
0x76: {  	_ =	shalt  }
0x77: {  	_ =	shalt  }
0x78: {  	_ =	shalt  }
0x79: {  	_ =	shalt  }
0x7a: {  	_ =	shalt  }
0x7b: {  	_ =	shalt  }
0x7c: {  	_ =	shalt  }
0x7d: {  	_ =	shalt  }
0x7e: {  	_ =	shalt  }
0x7f: {  	_ =	shalt  }
0x80: {  	_ =	shalt  }
0x81: {  	_ =	shalt  }
0x82: {  	_ =	shalt  }
0x83: {  	_ =	shalt  }
0x84: {  	_ =	shalt  }
0x85: {  	_ =	shalt  }
0x86: {  	_ =	shalt  }
0x87: {  	_ =	shalt  }
.Lfunc_end0:
.L_simem_size_0:
called_computation_lowered:
.L_overlay_start_0:
0x88: {  	s2 =	sld [smem:$0x3FD9]  }
0x89: {  	s3 =	sld [smem:$0x3FFE];
	_ =	sdelay $0x1  }
0x8a: {  	s1 =	srdreg.scid  }
0x8b: {  	s0 =	sand.u32 $0x1, s1  }
0x8c: {  	s17 =	sshll.u32 s0, $0xA;
	s2 =	sadd.s32 s3, s2  }
0x8d: {  	s2 =	sadd.s32 s2, s17  }
0x8e: {  	[smem:$0x3FC6] =	sst s2  }
0x8f: {  	_ = 	snop  }
0x90: {  	s2 =	sld [smem:$0x3FC8]  }
0x91: {  	s18 =	sld [smem:$0x3FD0];
	(tm) =	ssettm $0x1  }
0x92: {  	s4 =	sld [smem:$0x3FFB];
	_ =	sdelay $0x3  }
0x93: {  	_ =	strace s4  }
0x94: {  	s4 =	sld [smem:$0x3FFC];
	_ =	sdelay $0x3  }
0x95: {  	_ =	strace s4  }
0x96: {  	s4 =	sld [smem:$0x3FFD];
	_ =	sdelay $0x3  }
0x97: {  	_ =	strace s4  }
0x98: {  	_ =	strace $0x8FFFFFFF  }
0x99: {  	s19 =	sld [smem:$0x3FDB];
	_ =	sdelay $0x1  }
0x9a: {  	s5 =	simm.s32 $_scs_section_size  }
0x9b: {  	s6 =	simm.s32 $_size__tile_overlayer_lowered;
	s7 =	simm.s32 $_tile_overlayer_lowered  }
0x9c: {  	s22 =	simm.s32 $0x1BFF;
	s21 =	sshll.u32 s7, $0x1;
	s4 =	sadd.s32 s5, s19  }
0x9d: {  	s8 =	simm.s32 $0x0;
	s20 =	sshll.u32 s6, $0x1;
	s6 =	sadd.s32 s21, s4  }
0x9e: {  	[timem:s8], [sflag:s22] =	dma.local [hbm:s6], s20  }
0x9f: {  	_ =	swait.ge [sflag:s22], s20  }
0xa0: {  	s5 =	ssub.s32 $0x0, s20;
	[sflag:s22] =	ssyncset.done $0x0  }
0xa1: {  	[sflag:s22] =	ssyncadd.s32 s5;
	_ =	sdelay $0x1  }
0xa2: {  	s23 =	simm.s32 $0x1B8B  }
0xa3: {  	_ =	swait.ge [sflag:s23], $0x1  }
0xa4: {  	[sflag:s23] =	ssyncset.done $0x0  }
0xa5: {  	s25 =	simm.s32 $0x1B8E;
	s24 =	sld [smem:$0x3FFE];
	[sflag:s23] =	ssyncadd.s32 $0xFFFFFFFF  }
0xa6: {  	s26 =	simm.s32 $execute0_lowered;
	[smem:$0x3FD2] =	sst s25  }
0xa7: {  	s6 =	sshll.u32 s26, $0x1;
	_ =	strace $0x80000046;
	[dreg:$0x1] =	wrdreg $0xFFFFFFFF  }
0xa8: {  	s28 =	simm.s32 $_size_execute0_lowered;
	s4 =	sadd.s32 s4, s6;
	[dreg:$0x0] =	wrdreg $0x0  }
0xa9: {  	s6 =	sshll.u32 s28, $0x1;
	[dreg:$0x2] =	wrdreg s4  }
0xaa: {  	[dreg:$0x3] =	wrdreg s6  }
0xab: {  	[dreg:$0x4] =	wrdreg $0xC0  }
0xac: {  	_ =	task [dreg:s8], $0x5FFFF  }
0xad: {  	[dreg:$0x1] =	wrdreg $0xFFFFFFFF  }
0xae: {  	[dreg:$0x0] =	wrdreg $0x60  }
0xaf: {  	[dreg:$0x2] =	wrdreg s2  }
0xb0: {  	[dreg:$0x3] =	wrdreg s24  }
0xb1: {  	[dreg:$0x4] =	wrdreg s18  }
0xb2: {  	[dreg:$0x5] =	wrdreg $0x9  }
0xb3: {  	_ =	task.clear_ibuf [dreg:s8], $0x6FFFF;
	_ =	strace $0x90000046  }
0xb4: {  	s29 =	simm.s32 $0x9;
	_ =	strace $0x80000048  }
0xb5: {  	_ =	swait.ge [sflag:s29], $0x1  }
0xb6: {  	[sflag:s29] =	ssyncadd.s32 $0xFFFFFFFF  }
0xb7: {  	_ =	strace $0x90000048  }
0xb8: {  	_ =	sfence  }
0xb9: {  	s30 =	sld [smem:$0x0];
	_ =	sdelay $0x2  }
0xba: {  	s31 =	sshll.u32 s1, $0xD;
	s1 =	sshrl.u32 s1, $0x2  }
0xbb: {  	s3 =	sand.u32 $0x4000, s31;
	s1 =	sadd.s32 s1, s30  }
0xbc: {  	s0 =	sor.u32 s3, s0;
	s1 =	sshll.u32 s1, $0x11  }
0xbd: {  	s0 =	sor.u32 s1, s0  }
0xbe: {  	s0 =	sadd.s32 $0x8F2B, s0  }
0xbf: {  	[sflag:s0] =	ssyncadd.remote.s32 $0x1  }
0xc0: {  	_ =	sfence.sel $0xFFFF  }
0xc1: {  	[dreg:$0x0] =	wrdreg $0xFFFFFFFF;
	(pc) =	sbr.abs _section_cstart, $3  }
0xc2: {  	[dreg:$0x1] =	wrdreg $0xFFFFFFFF  }
0xc3: {  	_ =	task.clear_ibuf [dreg:s8], $0x2FFFF;
	_ =	strace $0x9FFFFFFF  }
0xc4: {  	(tm) =	ssettm $0x7FFFFFFF  }
0xc5: {  	_ =	shalt  }
tec
execute0_lowered:
.L_overlay_start_1:
0x0: {  	(tag) =	ssettag $0x1  }
0x1: {  	s2 =	rddreg [dreg:$0x0]  }
0x2: {  	s0 =	rddreg [dreg:$0x1];
	s1 =	srdreg.scid  }
0x3: {  	s4 =	rddreg [dreg:$0x2];
	s9 =	stileid.u32;
	s3 =	simm.s32 $0x0  }
0x4: {  	s10 =	simm.s32 $0x400;
	s14 =	simm.s32 $0x2400;
	s20 =	simm.s32 $0xAC00  }
0x5: {  	s21 =	simm.s32 $0xB400;
	s22 =	simm.s32 $0xBC00;
	s23 =	simm.s32 $0xCC00  }
0x6: {  	s24 =	simm.s32 $0xD400;
	s25 =	simm.s32 $0xDC00;
	s26 =	simm.s32 $0xEC00  }
0x7: {  	s29 =	simm.s32 $0xF400;
	s30 =	simm.s32 $0xFC00;
	[smem:$0x7FF] =	sst s3  }
0x8: {  	s31 =	simm.s32 $0xA400;
	_ =	strace $0x80000047;
	[dreg:$0x5] =	wrdreg s20  }
0x9: {  	s11 =	simm.s32 $0x2;
	s12 =	simm.s32 $0xE400;
	[dreg:$0x6] =	wrdreg s21  }
0xa: {  	s13 =	simm.s32 $0x3;
	s15 =	simm.s32 $0x9;
	[dreg:$0x7] =	wrdreg s22  }
0xb: {  	s16 =	simm.s32 $0x4;
	s28 =	simm.s32 $0x8;
	[dreg:$0x8] =	wrdreg s23  }
0xc: {  	s1 =	sand.u32 $0x1, s1;
	s5 =	sshll.u32 s9, $0xB;
	[dreg:$0x9] =	wrdreg s24  }
0xd: {  	s18 =	sshll.u32 s9, $0x12;
	s9 =	simm.s32 $0x0;
	[dreg:$0xa] =	wrdreg s25  }
0xe: {  	s6 =	sshll.u32 s1, $0xA;
	s17 =	ssub.s32 $0x2, s1;
	[dreg:$0xb] =	wrdreg s26  }
0xf: {  	s1 =	sshll.u32 s1, $0x11;
	s22 =	simm.s32 $0x6400;
	[dreg:$0xc] =	wrdreg s29  }
0x10: {  	[dreg:$0xd] =	wrdreg s30;
	s26 =	simm.s32 $0x8400;
	s20 =	simm.s32 $0xB  }
0x11: {  	s21 =	simm.s32 $0x6;
	s23 =	simm.s32 $0xC;
	s24 =	simm.s32 $0x7  }
0x12: {  	s25 =	simm.s32 $0xD;
	s5 =	sor.u32 s6, s5;
	s7 =	sshrl.u32 s17, $0x1  }
0x13: {  	s6 =	sadd.s32 $0x200, s2;
	s5 =	sshrl.u32 s5, $0x3;
	s8 =	ssub.s32 s17, s7  }
0x14: {  	s7 =	sadd.s32 $0x300, s2;
	s0 =	sadd.s32 s5, s0;
	s19 =	smax.u32 s8, $0x1  }
0x15: {  	s17 =	simm.s32 $0xA;
	s0 =	sadd.s32 $0x400, s0;
	[dreg:$0xf] =	wrdreg s19  }
0x16: {  	v0 =	vlaneseq.u32;
	s5 =	sadd.s32 $0x100, s2;
	[dreg:$0xe] =	wrdreg s0;
	s0 =	sadd.s32 s18, s4  }
0x17: {  	v1 =	vshrl.u32 v0, $0x3;
	s19 =	simm.s32 $0x5;
	s18 =	simm.s32 $0x4400;
	s0 =	sadd.s32 s1, s0  }
0x18: {  	vm0 =	vmmov $0xffff;
	v0 =	vand.u32 $0x7, v0;
	v1 =	vmul.u32 $0x8, v1;
	s1 =	simm.s32 $0xC400;
	[dreg:$0x4] =	wrdreg s0;
	s0 =	simm.s32 $0x1  }
.LBB2_1:
0x19: {  	[dreg:$0x10] =	wrdreg s9  }
0x1a: {  	s4 =	rddreg [dreg:$0xe];
	s30 =	simm.s32 $0x11  }
0x1b: {  	[tilespmem:s3], [sflag:$0x11] =	stream.linear.gather [hbm4b:s4+s3], $0x400, $0x38;
	[tilespmem:$0x10400] =	vst v63  }
0x1c: {  	_ =	swait.ge [sflag:s30], $0x400  }
0x1d: {  	[sflag:s30] =	ssyncset.done $0x0  }
0x1e: {  	[sflag:s30] =	ssyncadd.s32 $0xFFFFFC00  }
0x1f: {  	v2 =	vld.msk [tilespmem:$0x0], $0xff;
	_ =	sdelay $0x4  }
0x20: {  	v3 =	vshll.u32 v2, $0x3  }
0x21: {  	v2 =	vand.u32 $0x7, v2;
	v3 =	vand.u32 $0xFFFFFFC0, v3  }
0x22: {  	v2 =	vor.u32 v2, v3  }
0x23: {  	v2 =	vperm.xlane v2, v0;
	_ =	sdelay $0x1  }
0x24: {  	v2 =	vadd.s32 v1, v2;
	_ =	sdelay $0x4  }
0x25: {  	[tilespmem:s10], [sflag:$0x1] =	stream.indirect_vreg.gather [hbm4b:s2+s3], $0x80, v2, vm0, $0xb8;
	[tilespmem:$0x10400] =	vst v63  }
0x26: {  	s8 =	simm.s32 $0xC00  }
0x27: {  	[tilespmem:s8], [sflag:$0x1] =	stream.indirect_vreg.gather [hbm4b:s5+s3], $0x80, v2, vm0, $0xb8;
	[tilespmem:$0x10400] =	vst v63  }
0x28: {  	s9 =	simm.s32 $0x1400  }
0x29: {  	[tilespmem:s9], [sflag:$0x1] =	stream.indirect_vreg.gather [hbm4b:s6+s3], $0x80, v2, vm0, $0xb8;
	[tilespmem:$0x10400] =	vst v63  }
0x2a: {  	s30 =	simm.s32 $0x1C00  }
0x2b: {  	[tilespmem:s30], [sflag:$0x1] =	stream.indirect_vreg.gather [hbm4b:s7+s3], $0x80, v2, vm0, $0xb8;
	[tilespmem:$0x10400] =	vst v63  }
0x2c: {  	v2 =	vld.msk [tilespmem:$0x8], $0xff;
	_ =	sdelay $0x4  }
0x2d: {  	v3 =	vshll.u32 v2, $0x3  }
0x2e: {  	v2 =	vand.u32 $0x7, v2;
	v3 =	vand.u32 $0xFFFFFFC0, v3  }
0x2f: {  	v2 =	vor.u32 v2, v3  }
0x30: {  	v2 =	vperm.xlane v2, v0;
	_ =	sdelay $0x1  }
0x31: {  	v2 =	vadd.s32 v1, v2;
	_ =	sdelay $0x4  }
0x32: {  	[tilespmem:s14], [sflag:$0x2] =	stream.indirect_vreg.gather [hbm4b:s2+s3], $0x80, v2, vm0, $0xb8;
	[tilespmem:$0x10400] =	vst v63  }
0x33: {  	s8 =	simm.s32 $0x2C00  }
0x34: {  	[tilespmem:s8], [sflag:$0x2] =	stream.indirect_vreg.gather [hbm4b:s5+s3], $0x80, v2, vm0, $0xb8;
	[tilespmem:$0x10400] =	vst v63  }
0x35: {  	s9 =	simm.s32 $0x3400  }
0x36: {  	[tilespmem:s9], [sflag:$0x2] =	stream.indirect_vreg.gather [hbm4b:s6+s3], $0x80, v2, vm0, $0xb8;
	[tilespmem:$0x10400] =	vst v63  }
0x37: {  	s30 =	simm.s32 $0x3C00  }
0x38: {  	[tilespmem:s30], [sflag:$0x2] =	stream.indirect_vreg.gather [hbm4b:s7+s3], $0x80, v2, vm0, $0xb8;
	[tilespmem:$0x10400] =	vst v63  }
0x39: {  	v2 =	vld.msk [tilespmem:$0x10], $0xff;
	_ =	sdelay $0x4  }
0x3a: {  	v3 =	vshll.u32 v2, $0x3  }
0x3b: {  	v2 =	vand.u32 $0x7, v2;
	v3 =	vand.u32 $0xFFFFFFC0, v3  }
0x3c: {  	v2 =	vor.u32 v2, v3  }
0x3d: {  	v2 =	vperm.xlane v2, v0;
	_ =	sdelay $0x1  }
0x3e: {  	v2 =	vadd.s32 v1, v2;
	_ =	sdelay $0x4  }
0x3f: {  	[tilespmem:s18], [sflag:$0x3] =	stream.indirect_vreg.gather [hbm4b:s2+s3], $0x80, v2, vm0, $0xb8;
	[tilespmem:$0x10400] =	vst v63  }
0x40: {  	s8 =	simm.s32 $0x4C00  }
0x41: {  	[tilespmem:s8], [sflag:$0x3] =	stream.indirect_vreg.gather [hbm4b:s5+s3], $0x80, v2, vm0, $0xb8;
	[tilespmem:$0x10400] =	vst v63  }
0x42: {  	s9 =	simm.s32 $0x5400  }
0x43: {  	[tilespmem:s9], [sflag:$0x3] =	stream.indirect_vreg.gather [hbm4b:s6+s3], $0x80, v2, vm0, $0xb8;
	[tilespmem:$0x10400] =	vst v63  }
0x44: {  	s30 =	simm.s32 $0x5C00  }
0x45: {  	[tilespmem:s30], [sflag:$0x3] =	stream.indirect_vreg.gather [hbm4b:s7+s3], $0x80, v2, vm0, $0xb8;
	[tilespmem:$0x10400] =	vst v63  }
0x46: {  	v2 =	vld.msk [tilespmem:$0x18], $0xff;
	_ =	sdelay $0x4  }
0x47: {  	v3 =	vshll.u32 v2, $0x3  }
0x48: {  	v2 =	vand.u32 $0x7, v2;
	v3 =	vand.u32 $0xFFFFFFC0, v3  }
0x49: {  	v2 =	vor.u32 v2, v3  }
0x4a: {  	v2 =	vperm.xlane v2, v0;
	_ =	sdelay $0x1  }
0x4b: {  	v2 =	vadd.s32 v1, v2;
	_ =	sdelay $0x4  }
0x4c: {  	[tilespmem:s22], [sflag:$0x4] =	stream.indirect_vreg.gather [hbm4b:s2+s3], $0x80, v2, vm0, $0xb8;
	[tilespmem:$0x10400] =	vst v63  }
0x4d: {  	s8 =	simm.s32 $0x6C00  }
0x4e: {  	[tilespmem:s8], [sflag:$0x4] =	stream.indirect_vreg.gather [hbm4b:s5+s3], $0x80, v2, vm0, $0xb8;
	[tilespmem:$0x10400] =	vst v63  }
0x4f: {  	s9 =	simm.s32 $0x7400  }
0x50: {  	[tilespmem:s9], [sflag:$0x4] =	stream.indirect_vreg.gather [hbm4b:s6+s3], $0x80, v2, vm0, $0xb8;
	[tilespmem:$0x10400] =	vst v63  }
0x51: {  	s30 =	simm.s32 $0x7C00  }
0x52: {  	[tilespmem:s30], [sflag:$0x4] =	stream.indirect_vreg.gather [hbm4b:s7+s3], $0x80, v2, vm0, $0xb8;
	[tilespmem:$0x10400] =	vst v63  }
0x53: {  	v2 =	vld.msk [tilespmem:$0x20], $0xff;
	_ =	sdelay $0x4  }
0x54: {  	v3 =	vshll.u32 v2, $0x3  }
0x55: {  	v2 =	vand.u32 $0x7, v2;
	v3 =	vand.u32 $0xFFFFFFC0, v3  }
0x56: {  	v2 =	vor.u32 v2, v3  }
0x57: {  	v2 =	vperm.xlane v2, v0;
	_ =	sdelay $0x1  }
0x58: {  	v2 =	vadd.s32 v1, v2;
	_ =	sdelay $0x4  }
0x59: {  	[tilespmem:s26], [sflag:$0x5] =	stream.indirect_vreg.gather [hbm4b:s2+s3], $0x80, v2, vm0, $0xb8;
	[tilespmem:$0x10400] =	vst v63  }
0x5a: {  	s8 =	simm.s32 $0x8C00  }
0x5b: {  	[tilespmem:s8], [sflag:$0x5] =	stream.indirect_vreg.gather [hbm4b:s5+s3], $0x80, v2, vm0, $0xb8;
	[tilespmem:$0x10400] =	vst v63  }
0x5c: {  	s9 =	simm.s32 $0x9400  }
0x5d: {  	[tilespmem:s9], [sflag:$0x5] =	stream.indirect_vreg.gather [hbm4b:s6+s3], $0x80, v2, vm0, $0xb8;
	[tilespmem:$0x10400] =	vst v63  }
0x5e: {  	s29 =	simm.s32 $0x0;
	s30 =	simm.s32 $0x9C00;
	s9 =	simm.s32 $0x30  }
0x5f: {  	[tilespmem:s30], [sflag:$0x5] =	stream.indirect_vreg.gather [hbm4b:s7+s3], $0x80, v2, vm0, $0xb8;
	[tilespmem:$0x10400] =	vst v63  }
.LBB2_2:
0x60: {  	p0 =	seq.s32 s29, $0x0  }
0x61: {  	s4 =	simm.s32 @!p0 $0xE  }
0x62: {  	_ =	swait.ge @!p0 [sflag:s4], $0x2000  }
0x63: {  	[sflag:s4] =	ssyncset.done @!p0 $0x0  }
0x64: {  	[sflag:s4] =	ssyncadd.s32 @!p0 $0xFFFFE000  }
0x65: {  	v2 =	vld.msk [tilespmem:s9+$0xFFFFFFF8], $0xff;
	_ =	sdelay $0x4  }
0x66: {  	v3 =	vshll.u32 v2, $0x3  }
0x67: {  	v2 =	vand.u32 $0x7, v2;
	v3 =	vand.u32 $0xFFFFFFC0, v3  }
0x68: {  	v2 =	vor.u32 v2, v3  }
0x69: {  	v2 =	vperm.xlane v2, v0;
	_ =	sdelay $0x1  }
0x6a: {  	v2 =	vadd.s32 v1, v2;
	_ =	sdelay $0x4  }
0x6b: {  	[tilespmem:s31], [sflag:$0x6] =	stream.indirect_vreg.gather [hbm4b:s2+s3], $0x80, v2, vm0, $0xb8;
	[tilespmem:$0x10400] =	vst v63  }
0x6c: {  	s8 =	rddreg [dreg:$0x5]  }
0x6d: {  	[tilespmem:s8], [sflag:$0x6] =	stream.indirect_vreg.gather [hbm4b:s5+s3], $0x80, v2, vm0, $0xb8;
	[tilespmem:$0x10400] =	vst v63  }
0x6e: {  	s30 =	rddreg [dreg:$0x6]  }
0x6f: {  	[tilespmem:s30], [sflag:$0x6] =	stream.indirect_vreg.gather [hbm4b:s6+s3], $0x80, v2, vm0, $0xb8;
	[tilespmem:$0x10400] =	vst v63  }
0x70: {  	s8 =	rddreg [dreg:$0x7]  }
0x71: {  	[tilespmem:s8], [sflag:$0x6] =	stream.indirect_vreg.gather [hbm4b:s7+s3], $0x80, v2, vm0, $0xb8;
	[tilespmem:$0x10400] =	vst v63  }
0x72: {  	_ =	swait.ge [sflag:s0], $0x2000  }
0x73: {  	s30 =	rddreg [dreg:$0x4];
	[sflag:s0] =	ssyncset.done $0x0  }
0x74: {  	s4 =	simm.s32 @!p0 $0xF;
	[sflag:s0] =	ssyncadd.s32 $0xFFFFE000;
	s30 =	sadd.s32 s29, s30  }
0x75: {  	[hbm4b:s30+s3] =	stream.linear.scatter [tilespmem:s10], [sflag:$0x9], $0x2000, $0x38;
	[tilespmem:$0x10400] =	vst v63  }
0x76: {  	_ =	swait.ge @!p0 [sflag:s4], $0x2000  }
0x77: {  	[sflag:s4] =	ssyncset.done @!p0 $0x0  }
0x78: {  	[sflag:s4] =	ssyncadd.s32 @!p0 $0xFFFFE000  }
0x79: {  	v2 =	vld.msk [tilespmem:s9+$0x0], $0xff;
	_ =	sdelay $0x4  }
0x7a: {  	v3 =	vshll.u32 v2, $0x3  }
0x7b: {  	v2 =	vand.u32 $0x7, v2;
	v3 =	vand.u32 $0xFFFFFFC0, v3  }
0x7c: {  	v2 =	vor.u32 v2, v3  }
0x7d: {  	v2 =	vperm.xlane v2, v0;
	_ =	sdelay $0x1  }
0x7e: {  	v2 =	vadd.s32 v1, v2;
	_ =	sdelay $0x4  }
0x7f: {  	[tilespmem:s1], [sflag:$0x7] =	stream.indirect_vreg.gather [hbm4b:s2+s3], $0x80, v2, vm0, $0xb8;
	[tilespmem:$0x10400] =	vst v63  }
0x80: {  	s4 =	rddreg [dreg:$0x8]  }
0x81: {  	[tilespmem:s4], [sflag:$0x7] =	stream.indirect_vreg.gather [hbm4b:s5+s3], $0x80, v2, vm0, $0xb8;
	[tilespmem:$0x10400] =	vst v63  }
0x82: {  	s8 =	rddreg [dreg:$0x9]  }
0x83: {  	[tilespmem:s8], [sflag:$0x7] =	stream.indirect_vreg.gather [hbm4b:s6+s3], $0x80, v2, vm0, $0xb8;
	[tilespmem:$0x10400] =	vst v63  }
0x84: {  	s4 =	rddreg [dreg:$0xa]  }
0x85: {  	[tilespmem:s4], [sflag:$0x7] =	stream.indirect_vreg.gather [hbm4b:s7+s3], $0x80, v2, vm0, $0xb8;
	[tilespmem:$0x10400] =	vst v63  }
0x86: {  	_ =	swait.ge [sflag:s11], $0x2000  }
0x87: {  	[sflag:s11] =	ssyncset.done $0x0  }
0x88: {  	s8 =	sadd.s32 $0x400, s30;
	s4 =	simm.s32 @!p0 $0x10;
	[sflag:s11] =	ssyncadd.s32 $0xFFFFE000  }
0x89: {  	[hbm4b:s8+s3] =	stream.linear.scatter [tilespmem:s14], [sflag:$0xA], $0x2000, $0x38;
	[tilespmem:$0x10400] =	vst v63  }
0x8a: {  	_ =	swait.ge @!p0 [sflag:s4], $0x2000  }
0x8b: {  	[sflag:s4] =	ssyncset.done @!p0 $0x0  }
0x8c: {  	[sflag:s4] =	ssyncadd.s32 @!p0 $0xFFFFE000  }
0x8d: {  	v2 =	vld.msk [tilespmem:s9+$0x8], $0xff;
	_ =	sdelay $0x4  }
0x8e: {  	v3 =	vshll.u32 v2, $0x3  }
0x8f: {  	v2 =	vand.u32 $0x7, v2;
	v3 =	vand.u32 $0xFFFFFFC0, v3  }
0x90: {  	v2 =	vor.u32 v2, v3  }
0x91: {  	v2 =	vperm.xlane v2, v0;
	_ =	sdelay $0x1  }
0x92: {  	v2 =	vadd.s32 v1, v2;
	_ =	sdelay $0x4  }
0x93: {  	[tilespmem:s12], [sflag:$0x8] =	stream.indirect_vreg.gather [hbm4b:s2+s3], $0x80, v2, vm0, $0xb8;
	[tilespmem:$0x10400] =	vst v63  }
0x94: {  	s4 =	rddreg [dreg:$0xb]  }
0x95: {  	[tilespmem:s4], [sflag:$0x8] =	stream.indirect_vreg.gather [hbm4b:s5+s3], $0x80, v2, vm0, $0xb8;
	[tilespmem:$0x10400] =	vst v63  }
0x96: {  	s8 =	rddreg [dreg:$0xc]  }
0x97: {  	[tilespmem:s8], [sflag:$0x8] =	stream.indirect_vreg.gather [hbm4b:s6+s3], $0x80, v2, vm0, $0xb8;
	[tilespmem:$0x10400] =	vst v63  }
0x98: {  	s4 =	rddreg [dreg:$0xd]  }
0x99: {  	[tilespmem:s4], [sflag:$0x8] =	stream.indirect_vreg.gather [hbm4b:s7+s3], $0x80, v2, vm0, $0xb8;
	[tilespmem:$0x10400] =	vst v63  }
0x9a: {  	_ =	swait.ge [sflag:s13], $0x2000  }
0x9b: {  	[sflag:s13] =	ssyncset.done $0x0  }
0x9c: {  	s8 =	sadd.s32 $0x800, s30;
	[sflag:s13] =	ssyncadd.s32 $0xFFFFE000  }
0x9d: {  	[hbm4b:s8+s3] =	stream.linear.scatter [tilespmem:s18], [sflag:$0xB], $0x2000, $0x38;
	[tilespmem:$0x10400] =	vst v63  }
0x9e: {  	_ =	swait.ge [sflag:s15], $0x2000  }
0x9f: {  	[sflag:s15] =	ssyncset.done $0x0  }
0xa0: {  	p0 =	seq.s32 s29, $0x1E000;
	[sflag:s15] =	ssyncadd.s32 $0xFFFFE000  }
0xa1: {  	v2 =	vld.msk @!p0 [tilespmem:s9+$0x10], $0xff;
	_ =	sdelay $0x4  }
0xa2: {  	v3 =	vshll.u32 @!p0 v2, $0x3  }
0xa3: {  	v4 =	vlaneseq.u32 @!p0;
	v2 =	vand.u32 @!p0 $0x7, v2;
	v3 =	vand.u32 @!p0 $0xFFFFFFC0, v3  }
0xa4: {  	v2 =	vor.u32 @!p0 v2, v3;
	v3 =	vand.u32 @!p0 $0x7, v4;
	v4 =	vshrl.u32 @!p0 v4, $0x3  }
0xa5: {  	v2 =	vperm.xlane @!p0 v2, v3;
	v4 =	vmul.u32 @!p0 $0x8, v4;
	_ =	sdelay $0x1  }
0xa6: {  	v2 =	vadd.s32 @!p0 v4, v2;
	_ =	sdelay $0x3  }
0xa7: {  	vm1 =	vmmov @!p0 $0xffff;
	s4 =	simm.s32 @!p0 $0x0;
	s8 =	simm.s32 @!p0 $0x400  }
0xa8: {  	[tilespmem:s8], [sflag:$0x1] =	stream.indirect_vreg.gather @!p0 [hbm4b:s2+s4], $0x80, v2, vm1, $0xb8;
	[tilespmem:$0x10400] =	vst v63  }
0xa9: {  	s8 =	simm.s32 @!p0 $0xC00  }
0xaa: {  	[tilespmem:s8], [sflag:$0x1] =	stream.indirect_vreg.gather @!p0 [hbm4b:s5+s4], $0x80, v2, vm1, $0xb8;
	[tilespmem:$0x10400] =	vst v63  }
0xab: {  	s8 =	simm.s32 @!p0 $0x1400  }
0xac: {  	[tilespmem:s8], [sflag:$0x1] =	stream.indirect_vreg.gather @!p0 [hbm4b:s6+s4], $0x80, v2, vm1, $0xb8;
	[tilespmem:$0x10400] =	vst v63  }
0xad: {  	s8 =	simm.s32 @!p0 $0x1C00  }
0xae: {  	[tilespmem:s8], [sflag:$0x1] =	stream.indirect_vreg.gather @!p0 [hbm4b:s7+s4], $0x80, v2, vm1, $0xb8;
	[tilespmem:$0x10400] =	vst v63  }
0xaf: {  	_ =	swait.ge [sflag:s16], $0x2000  }
0xb0: {  	[sflag:s16] =	ssyncset.done $0x0  }
0xb1: {  	s8 =	sadd.s32 $0xC00, s30;
	[sflag:s16] =	ssyncadd.s32 $0xFFFFE000  }
0xb2: {  	[hbm4b:s8+s3] =	stream.linear.scatter [tilespmem:s22], [sflag:$0xC], $0x2000, $0x38;
	[tilespmem:$0x10400] =	vst v63  }
0xb3: {  	_ =	swait.ge [sflag:s17], $0x2000  }
0xb4: {  	[sflag:s17] =	ssyncset.done $0x0  }
0xb5: {  	[sflag:s17] =	ssyncadd.s32 $0xFFFFE000  }
0xb6: {  	v2 =	vld.msk @!p0 [tilespmem:s9+$0x18], $0xff;
	_ =	sdelay $0x4  }
0xb7: {  	v5 =	vshll.u32 @!p0 v2, $0x3  }
0xb8: {  	v2 =	vand.u32 @!p0 $0x7, v2;
	v5 =	vand.u32 @!p0 $0xFFFFFFC0, v5  }
0xb9: {  	v2 =	vor.u32 @!p0 v2, v5  }
0xba: {  	v2 =	vperm.xlane @!p0 v2, v3;
	_ =	sdelay $0x1  }
0xbb: {  	v2 =	vadd.s32 @!p0 v4, v2;
	_ =	sdelay $0x3  }
0xbc: {  	s8 =	simm.s32 @!p0 $0x2400  }
0xbd: {  	[tilespmem:s8], [sflag:$0x2] =	stream.indirect_vreg.gather @!p0 [hbm4b:s2+s4], $0x80, v2, vm1, $0xb8;
	[tilespmem:$0x10400] =	vst v63  }
0xbe: {  	s8 =	simm.s32 @!p0 $0x2C00  }
0xbf: {  	[tilespmem:s8], [sflag:$0x2] =	stream.indirect_vreg.gather @!p0 [hbm4b:s5+s4], $0x80, v2, vm1, $0xb8;
	[tilespmem:$0x10400] =	vst v63  }
0xc0: {  	s8 =	simm.s32 @!p0 $0x3400  }
0xc1: {  	[tilespmem:s8], [sflag:$0x2] =	stream.indirect_vreg.gather @!p0 [hbm4b:s6+s4], $0x80, v2, vm1, $0xb8;
	[tilespmem:$0x10400] =	vst v63  }
0xc2: {  	s8 =	simm.s32 @!p0 $0x3C00  }
0xc3: {  	[tilespmem:s8], [sflag:$0x2] =	stream.indirect_vreg.gather @!p0 [hbm4b:s7+s4], $0x80, v2, vm1, $0xb8;
	[tilespmem:$0x10400] =	vst v63  }
0xc4: {  	_ =	swait.ge [sflag:s19], $0x2000  }
0xc5: {  	[sflag:s19] =	ssyncset.done $0x0  }
0xc6: {  	s8 =	sadd.s32 $0x1000, s30;
	[sflag:s19] =	ssyncadd.s32 $0xFFFFE000  }
0xc7: {  	[hbm4b:s8+s3] =	stream.linear.scatter [tilespmem:s26], [sflag:$0xD], $0x2000, $0x38;
	[tilespmem:$0x10400] =	vst v63  }
0xc8: {  	_ =	swait.ge [sflag:s20], $0x2000  }
0xc9: {  	[sflag:s20] =	ssyncset.done $0x0  }
0xca: {  	[sflag:s20] =	ssyncadd.s32 $0xFFFFE000  }
0xcb: {  	v2 =	vld.msk @!p0 [tilespmem:s9+$0x20], $0xff;
	_ =	sdelay $0x4  }
0xcc: {  	v5 =	vshll.u32 @!p0 v2, $0x3  }
0xcd: {  	v2 =	vand.u32 @!p0 $0x7, v2;
	v5 =	vand.u32 @!p0 $0xFFFFFFC0, v5  }
0xce: {  	v2 =	vor.u32 @!p0 v2, v5  }
0xcf: {  	v2 =	vperm.xlane @!p0 v2, v3;
	_ =	sdelay $0x1  }
0xd0: {  	v2 =	vadd.s32 @!p0 v4, v2;
	_ =	sdelay $0x3  }
0xd1: {  	s8 =	simm.s32 @!p0 $0x4400  }
0xd2: {  	[tilespmem:s8], [sflag:$0x3] =	stream.indirect_vreg.gather @!p0 [hbm4b:s2+s4], $0x80, v2, vm1, $0xb8;
	[tilespmem:$0x10400] =	vst v63  }
0xd3: {  	s8 =	simm.s32 @!p0 $0x4C00  }
0xd4: {  	[tilespmem:s8], [sflag:$0x3] =	stream.indirect_vreg.gather @!p0 [hbm4b:s5+s4], $0x80, v2, vm1, $0xb8;
	[tilespmem:$0x10400] =	vst v63  }
0xd5: {  	s8 =	simm.s32 @!p0 $0x5400  }
0xd6: {  	[tilespmem:s8], [sflag:$0x3] =	stream.indirect_vreg.gather @!p0 [hbm4b:s6+s4], $0x80, v2, vm1, $0xb8;
	[tilespmem:$0x10400] =	vst v63  }
0xd7: {  	s8 =	simm.s32 @!p0 $0x5C00  }
0xd8: {  	[tilespmem:s8], [sflag:$0x3] =	stream.indirect_vreg.gather @!p0 [hbm4b:s7+s4], $0x80, v2, vm1, $0xb8;
	[tilespmem:$0x10400] =	vst v63  }
0xd9: {  	_ =	swait.ge [sflag:s21], $0x2000  }
0xda: {  	[sflag:s21] =	ssyncset.done $0x0  }
0xdb: {  	s8 =	sadd.s32 $0x1400, s30;
	[sflag:s21] =	ssyncadd.s32 $0xFFFFE000  }
0xdc: {  	[hbm4b:s8+s3] =	stream.linear.scatter [tilespmem:s31], [sflag:$0xE], $0x2000, $0x38;
	[tilespmem:$0x10400] =	vst v63  }
0xdd: {  	_ =	swait.ge [sflag:s23], $0x2000  }
0xde: {  	[sflag:s23] =	ssyncset.done $0x0  }
0xdf: {  	[sflag:s23] =	ssyncadd.s32 $0xFFFFE000  }
0xe0: {  	v2 =	vld.msk @!p0 [tilespmem:s9+$0x28], $0xff;
	_ =	sdelay $0x4  }
0xe1: {  	v5 =	vshll.u32 @!p0 v2, $0x3  }
0xe2: {  	v2 =	vand.u32 @!p0 $0x7, v2;
	v5 =	vand.u32 @!p0 $0xFFFFFFC0, v5  }
0xe3: {  	v2 =	vor.u32 @!p0 v2, v5  }
0xe4: {  	v2 =	vperm.xlane @!p0 v2, v3;
	_ =	sdelay $0x1  }
0xe5: {  	v2 =	vadd.s32 @!p0 v4, v2;
	_ =	sdelay $0x3  }
0xe6: {  	s8 =	simm.s32 @!p0 $0x6400  }
0xe7: {  	[tilespmem:s8], [sflag:$0x4] =	stream.indirect_vreg.gather @!p0 [hbm4b:s2+s4], $0x80, v2, vm1, $0xb8;
	[tilespmem:$0x10400] =	vst v63  }
0xe8: {  	s8 =	simm.s32 @!p0 $0x6C00  }
0xe9: {  	[tilespmem:s8], [sflag:$0x4] =	stream.indirect_vreg.gather @!p0 [hbm4b:s5+s4], $0x80, v2, vm1, $0xb8;
	[tilespmem:$0x10400] =	vst v63  }
0xea: {  	s8 =	simm.s32 @!p0 $0x7400  }
0xeb: {  	[tilespmem:s8], [sflag:$0x4] =	stream.indirect_vreg.gather @!p0 [hbm4b:s6+s4], $0x80, v2, vm1, $0xb8;
	[tilespmem:$0x10400] =	vst v63  }
0xec: {  	s8 =	simm.s32 @!p0 $0x7C00  }
0xed: {  	[tilespmem:s8], [sflag:$0x4] =	stream.indirect_vreg.gather @!p0 [hbm4b:s7+s4], $0x80, v2, vm1, $0xb8;
	[tilespmem:$0x10400] =	vst v63  }
0xee: {  	_ =	swait.ge [sflag:s24], $0x2000  }
0xef: {  	[sflag:s24] =	ssyncset.done $0x0  }
0xf0: {  	s8 =	sadd.s32 $0x1800, s30;
	[sflag:s24] =	ssyncadd.s32 $0xFFFFE000  }
0xf1: {  	[hbm4b:s8+s3] =	stream.linear.scatter [tilespmem:s1], [sflag:$0xF], $0x2000, $0x38;
	[tilespmem:$0x10400] =	vst v63  }
0xf2: {  	_ =	swait.ge [sflag:s25], $0x2000  }
0xf3: {  	[sflag:s25] =	ssyncset.done $0x0  }
0xf4: {  	[sflag:s25] =	ssyncadd.s32 $0xFFFFE000  }
0xf5: {  	v2 =	vld.msk @!p0 [tilespmem:s9+$0x30], $0xff;
	_ =	sdelay $0x4  }
0xf6: {  	v5 =	vshll.u32 @!p0 v2, $0x3  }
0xf7: {  	v2 =	vand.u32 @!p0 $0x7, v2;
	v5 =	vand.u32 @!p0 $0xFFFFFFC0, v5  }
0xf8: {  	v2 =	vor.u32 @!p0 v2, v5  }
0xf9: {  	v2 =	vperm.xlane @!p0 v2, v3;
	_ =	sdelay $0x1  }
0xfa: {  	v2 =	vadd.s32 @!p0 v4, v2;
	_ =	sdelay $0x3  }
0xfb: {  	s8 =	simm.s32 @!p0 $0x8400  }
0xfc: {  	[tilespmem:s8], [sflag:$0x5] =	stream.indirect_vreg.gather @!p0 [hbm4b:s2+s4], $0x80, v2, vm1, $0xb8;
	[tilespmem:$0x10400] =	vst v63  }
0xfd: {  	s8 =	simm.s32 @!p0 $0x8C00  }
0xfe: {  	[tilespmem:s8], [sflag:$0x5] =	stream.indirect_vreg.gather @!p0 [hbm4b:s5+s4], $0x80, v2, vm1, $0xb8;
	[tilespmem:$0x10400] =	vst v63  }
0xff: {  	s8 =	simm.s32 @!p0 $0x9400  }
0x100: {  	[tilespmem:s8], [sflag:$0x5] =	stream.indirect_vreg.gather @!p0 [hbm4b:s6+s4], $0x80, v2, vm1, $0xb8;
	[tilespmem:$0x10400] =	vst v63  }
0x101: {  	s29 =	sadd.s32 $0x2000, s29;
	s8 =	simm.s32 @!p0 $0x9C00  }
0x102: {  	[tilespmem:s8], [sflag:$0x5] =	stream.indirect_vreg.gather @!p0 [hbm4b:s7+s4], $0x80, v2, vm1, $0xb8;
	[tilespmem:$0x10400] =	vst v63  }
0x103: {  	p0 =	sne.s32 s29, $0x20000  }
.Ltmp0:
0x104: {  	_ = 	snop;
	(pc) =	sbr.rel @p0 .LBB2_2-.Ltmp0, $4  }
0x105: {  	_ =	swait.ge [sflag:s28], $0x2000  }
0x106: {  	[sflag:s28] =	ssyncset.done $0x0  }
0x107: {  	s30 =	sadd.s32 $0x1C00, s30;
	s9 =	sadd.s32 $0x40, s9;
	[sflag:s28] =	ssyncadd.s32 $0xFFFFE000  }
0x108: {  	[hbm4b:s30+s3] =	stream.linear.scatter [tilespmem:s12], [sflag:$0x10], $0x2000, $0x38;
	[tilespmem:$0x10400] =	vst v63  }
0x109: {  	s4 =	simm.s32 $0xE  }
0x10a: {  	_ =	swait.ge [sflag:s4], $0x2000  }
0x10b: {  	[sflag:s4] =	ssyncset.done $0x0  }
0x10c: {  	s29 =	simm.s32 $0xF;
	[sflag:s4] =	ssyncadd.s32 $0xFFFFE000  }
0x10d: {  	_ =	swait.ge [sflag:s29], $0x2000  }
0x10e: {  	[sflag:s29] =	ssyncset.done $0x0  }
0x10f: {  	s8 =	simm.s32 $0x10;
	[sflag:s29] =	ssyncadd.s32 $0xFFFFE000  }
0x110: {  	_ =	swait.ge [sflag:s8], $0x2000  }
0x111: {  	s9 =	rddreg [dreg:$0x10]  }
0x112: {  	s30 =	rddreg [dreg:$0xf];
	s9 =	sadd.s32 $0x1, s9  }
0x113: {  	p0 =	sne.s32 s9, s30  }
.Ltmp1:
0x114: {  	_ = 	snop;
	(pc) =	sbr.rel @p0 .LBB2_1-.Ltmp1, $3  }
0x115: {  	_ =	sdelay $0x1  }
0x116: {  	[sflag:s8] =	ssyncset.done $0x0  }
0x117: {  	[sflag:s8] =	ssyncadd.s32 $0xFFFFE000  }
0x118: {  	_ =	sfence.sel $0x180000  }
0x119: {  	[bflag:$0x0] =	sbarrier.arrive $0xFFFF  }
0x11a: {  	_ =	strace $0x90000047  }
0x11b: {  	s0 =	stileid.u32;
	[bflag:$0x2] =	sbarrier.arrive $0xFFFF  }
0x11c: {  	p0 =	sne.s32 s0, $0x0;
	s0 =	rddreg [dreg:$0x3]  }
0x11d: {  	s0 =	sadd.s32 @!p0 $0x100000, s0  }
0x11e: {  	[sflag:s0] =	ssyncadd.tile.s32 @!p0 $0x1;
	_ =	shalt  }
.Lfunc_end2:
_tile_overlayer_lowered:
.L_overlay_start_2:
0x11f: {  	(tag) =	ssettag $0x2  }
0x120: {  	s0 =	rddreg [dreg:$0x0];
	s2 =	stileid.u32  }
0x121: {  	s1 =	rddreg [dreg:$0x1];
	p0 =	sne.s32 s2, $0x0  }
0x122: {  	s3 =	rddreg [dreg:$0x2];
	[bflag:$0x3] =	sbarrier.arrive $0xFFFF;
	s2 =	simm.s32 @!p0 $0x1C11  }
0x123: {  	[timem:s3], [sflag:s2] =	dma.local @!p0 [hbm:s0], s1  }
0x124: {  	s0 =	simm.s32 @!p0 $0x11  }
0x125: {  	_ =	swait.ge @!p0 [sflag:s0], s1  }
0x126: {  	s1 =	ssub.s32 @!p0 $0x0, s1;
	[sflag:s0] =	ssyncset.done @!p0 $0x0  }
0x127: {  	[sflag:s0] =	ssyncadd.s32 @!p0 s1  }
0x128: {  	[bflag:$0x3] =	sbarrier.arrive $0xFFFF  }
0x129: {  	_ =	shalt  }

</sc_bundles>
